<compile_context>
chip_gen: v7x
topology: tpu7x:2x2x1
jax: 0.10.2.dev20260603
libtpu: 0.0.44.dev20260713+nightly
codegen_flags: <defaults>
</compile_context>

<pallas_src>
import functools

import jax
import jax.numpy as jnp
from jax import lax
from jax.experimental import pallas as pl
from jax.experimental.pallas import tpu as pltpu
from jax.experimental.pallas import tpu_sc as plsc

DIM = 128
NSLAB = 4096
ROWS = 50
NW = 32
SPW = NSLAB // NW
IPW = SPW * ROWS
NBUF = 8
LANES = 16
NG = 4

_mesh = plsc.VectorSubcoreMesh(core_axis_name="c", subcore_axis_name="s")


@functools.partial(
    pl.kernel,
    out_type=jax.ShapeDtypeStruct((NSLAB, ROWS, DIM), jnp.float32),
    mesh=_mesh,
    scratch_types=(
        [pltpu.VMEM((ROWS, DIM), jnp.float32) for _ in range(NBUF)]
        + [pltpu.VMEM((IPW + 64,), jnp.int32),
           pltpu.VMEM((NBUF * 64,), jnp.int32)]
        + [pltpu.SemaphoreType.DMA, pltpu.SemaphoreType.DMA]
        + [pltpu.SemaphoreType.DMA for _ in range(NBUF)]
    ),
    compiler_params=pltpu.CompilerParams(needs_layout_passes=False),
)
def _onehot_sc(x_hbm, table_hbm, out_hbm, *refs):
    rows = refs[:NBUF]
    nidx, ocol = refs[NBUF], refs[NBUF + 1]
    isem = refs[NBUF + 2]
    ssem = refs[NBUF + 4:2 * NBUF + 4]
    wid = lax.axis_index("s") * 2 + lax.axis_index("c")
    sbase = wid * SPW

    ones_v = jnp.full((LANES,), 1.0, jnp.float32)
    zeros_v = jnp.full((LANES,), 0.0, jnp.float32)
    lane = lax.iota(jnp.int32, LANES)
    tail_m = lane < (ROWS - (NG - 1) * LANES)

    pltpu.async_copy(x_hbm.at[pl.ds(wid * IPW, IPW)],
                     nidx.at[pl.ds(0, IPW)], isem)
    pltpu.make_async_copy(x_hbm.at[pl.ds(wid * IPW, IPW)],
                          nidx.at[pl.ds(0, IPW)], isem).wait()

    def _start_store(h, b):
        pltpu.async_copy(rows[b], out_hbm.at[sbase + h], ssem[b])

    def _wait_store(h, b):
        pltpu.make_async_copy(rows[b], out_hbm.at[sbase + h],
                              ssem[b]).wait()

    def body(t, carry):
        for p in range(NBUF):
            h = NBUF * t + p

            @pl.when(h < NBUF)
            def _():
                def zbody(r, c):
                    for u in range(DIM // LANES):
                        rows[p][r, pl.ds(u * LANES, LANES)] = zeros_v
                    return c
                lax.fori_loop(0, ROWS, zbody, 0)

            @pl.when(h >= NBUF)
            def _():
                _wait_store(h - NBUF, p)
                for g in range(NG):
                    m = tail_m if g == NG - 1 else None
                    plsc.store_scatter(
                        rows[p],
                        [lane + g * LANES,
                         ocol[pl.ds(p * 64 + g * LANES, LANES)]],
                        zeros_v, mask=m)

            for g in range(NG):
                col = nidx[pl.ds(h * ROWS + g * LANES, LANES)]
                m = tail_m if g == NG - 1 else None
                plsc.store_scatter(rows[p], [lane + g * LANES, col],
                                   ones_v, mask=m)
                ocol[pl.ds(p * 64 + g * LANES, LANES)] = col

            _start_store(h, p)
        return carry

    lax.fori_loop(0, SPW // NBUF, body, 0)

    for q in range(NBUF):
        _wait_store(SPW - NBUF + q, q)


def kernel(x, I):
    return _onehot_sc(x.reshape(-1), I)

# --- scband reference (transcript-rebuilt; emitter-appended) ---
"""Pipeline reference for scband-positional-encoding-12128987644665 (READ-ONLY COPY).

The authoritative reference and input builder live on the scoring server;
editing this copy changes nothing except your own understanding.
"""

import jax, jax.numpy as jnp
import numpy as np

DIM = 128

def setup_inputs(seed: int = 0) -> dict:
    key = jax.random.key(seed)
    x = jax.random.randint(key, (4096, 50), 0, DIM, dtype=jnp.int32)
    # Learned/buffer parameter: identity one-hot table (torch stores eye(dim) as byte buffer;
    # we keep float32 so math is identical after the .float() cast in forward).
    I = jnp.eye(DIM, dtype=jnp.float32)
    return {"x": x, "I": I}

def reference(x, I):
    # mode == 'onehot': torch.index_select(I, 0, x.reshape(-1)).reshape(*x.shape, dim).float()
    out_shape = tuple(x.shape) + (I.shape[0],)
    out = jnp.take(I, x.reshape(-1), axis=0).reshape(out_shape)
    return out.astype(jnp.float32)

if __name__ == "__main__":
    import jax
    _d = setup_inputs()
    print(jax.jit(kernel)(*tuple(_d.values())))

</pallas_src>

<mosaic_0001>
#map = affine_map<(d0, d1) -> (0)>
#map1 = affine_map<(d0, d1) -> (0, 0)>
#map2 = affine_map<(d0, d1) -> (0, 0, 0)>
module attributes {stable_mosaic.version = 14 : i64} {
  func.func @_onehot_sc(%arg0: i32, %arg1: i32, %arg2: memref<204800xi32, #tpu.memory_space<hbm>>, %arg3: memref<128x128xf32, #tpu.memory_space<hbm>>, %arg4: memref<4096x50x128xf32, #tpu.memory_space<hbm>>, %arg5: memref<50x128xf32, #tpu.memory_space<vmem>>, %arg6: memref<50x128xf32, #tpu.memory_space<vmem>>, %arg7: memref<50x128xf32, #tpu.memory_space<vmem>>, %arg8: memref<50x128xf32, #tpu.memory_space<vmem>>, %arg9: memref<50x128xf32, #tpu.memory_space<vmem>>, %arg10: memref<50x128xf32, #tpu.memory_space<vmem>>, %arg11: memref<50x128xf32, #tpu.memory_space<vmem>>, %arg12: memref<50x128xf32, #tpu.memory_space<vmem>>, %arg13: memref<6464xi32, #tpu.memory_space<vmem>>, %arg14: memref<512xi32, #tpu.memory_space<vmem>>, %arg15: memref<!tpu.dma_semaphore, #tpu.memory_space<semaphore_mem>>, %arg16: memref<!tpu.dma_semaphore, #tpu.memory_space<semaphore_mem>>, %arg17: memref<!tpu.dma_semaphore, #tpu.memory_space<semaphore_mem>>, %arg18: memref<!tpu.dma_semaphore, #tpu.memory_space<semaphore_mem>>, %arg19: memref<!tpu.dma_semaphore, #tpu.memory_space<semaphore_mem>>, %arg20: memref<!tpu.dma_semaphore, #tpu.memory_space<semaphore_mem>>, %arg21: memref<!tpu.dma_semaphore, #tpu.memory_space<semaphore_mem>>, %arg22: memref<!tpu.dma_semaphore, #tpu.memory_space<semaphore_mem>>, %arg23: memref<!tpu.dma_semaphore, #tpu.memory_space<semaphore_mem>>, %arg24: memref<!tpu.dma_semaphore, #tpu.memory_space<semaphore_mem>>) attributes {dimension_semantics = [#tpu.dimension_semantics<core_parallel>, #tpu.dimension_semantics<subcore_parallel>], iteration_bounds = array<i64: 2, 16>, scalar_prefetch = 0 : i64, scratch_operands = 20 : i64, tpu.core_type = #tpu.core_type<sc_vector_subcore>, window_params = [{transform_indices = #map}, {transform_indices = #map1}, {transform_indices = #map2}]} {
    %mul3A = arith.constant 2 : i32
    %mul3A_0 = arith.muli %arg1, %mul3A : i32
    %add3A = arith.addi %mul3A_0, %arg0 : i32
    %mul3A_1 = arith.constant 128 : i32
    %mul3A_2 = arith.muli %add3A, %mul3A_1 : i32
    %broadcast_in_dim3A = arith.constant 1.000000e+00 : f32
    %broadcast_in_dim3A_3 = vector.broadcast %broadcast_in_dim3A : f32 to vector<16xf32>
    %broadcast_in_dim3A_4 = arith.constant 0.000000e+00 : f32
    %broadcast_in_dim3A_5 = vector.broadcast %broadcast_in_dim3A_4 : f32 to vector<16xf32>
    %iota3A = tpu.iota {dimensions = array<i32: 0>} : vector<16xi32>
    %lt3A = arith.constant 2 : i32
    %lt3A_6 = vector.broadcast %lt3A : i32 to vector<16xi32>
    %lt3A_7 = arith.cmpi slt, %iota3A, %lt3A_6 : vector<16xi32>
    %mul3A_8 = arith.constant 6400 : i32
    %mul3A_9 = arith.muli %add3A, %mul3A_8 : i32
    %dma_start3A = arith.constant 0 : i32
    %dma_start3A_10 = tpu.memref_slice %arg13[%dma_start3A] : memref<6464xi32, #tpu.memory_space<vmem>> -> memref<6400xi32, #tpu.memory_space<vmem>>
    %dma_start3A_11 = tpu.memref_slice %arg2[%mul3A_9] : memref<204800xi32, #tpu.memory_space<hbm>> -> memref<6400xi32, #tpu.memory_space<hbm>>
    %dma_start3A_12 = arith.constant 0 : i32
    %dma_start3A_13 = tpu.memref_slice %arg13[%dma_start3A_12] : memref<6464xi32, #tpu.memory_space<vmem>> -> memref<6400xi32, #tpu.memory_space<vmem>>
    %dma_start3A_14 = tpu.memref_slice %arg2[%mul3A_9] : memref<204800xi32, #tpu.memory_space<hbm>> -> memref<6400xi32, #tpu.memory_space<hbm>>
    tpu.enqueue_dma source(%dma_start3A_14 : memref<6400xi32, #tpu.memory_space<hbm>>) target(%dma_start3A_13 : memref<6400xi32, #tpu.memory_space<vmem>>) target_semaphore(%arg15 : memref<!tpu.dma_semaphore, #tpu.memory_space<semaphore_mem>>)
    %mul3A_15 = arith.constant 6400 : i32
    %mul3A_16 = arith.muli %add3A, %mul3A_15 : i32
    %dma_wait3A = arith.constant 0 : i32
    %dma_wait3A_17 = tpu.memref_slice %arg13[%dma_wait3A] : memref<6464xi32, #tpu.memory_space<vmem>> -> memref<6400xi32, #tpu.memory_space<vmem>>
    %dma_wait3A_18 = tpu.memref_slice %arg2[%mul3A_16] : memref<204800xi32, #tpu.memory_space<hbm>> -> memref<6400xi32, #tpu.memory_space<hbm>>
    %dma_wait3A_19 = arith.constant 0 : i32
    %dma_wait3A_20 = tpu.memref_slice %arg13[%dma_wait3A_19] : memref<6464xi32, #tpu.memory_space<vmem>> -> memref<6400xi32, #tpu.memory_space<vmem>>
    %dma_wait3A_21 = tpu.memref_slice %arg2[%mul3A_16] : memref<204800xi32, #tpu.memory_space<hbm>> -> memref<6400xi32, #tpu.memory_space<hbm>>
    tpu.wait_dma2 semaphore(%arg15 : memref<!tpu.dma_semaphore, #tpu.memory_space<semaphore_mem>>) src(%dma_wait3A_21 : memref<6400xi32, #tpu.memory_space<hbm>>) dst(%dma_wait3A_20 : memref<6400xi32, #tpu.memory_space<vmem>>)
    %scan3A = arith.constant 0 : i32
    %scan3A_22 = arith.constant 0 : i32
    %scan3A_23 = arith.constant 16 : i32
    %scan3A_24 = arith.addi %scan3A_22, %scan3A_23 : i32
    %scan3A_25 = arith.constant 1 : i32
    scf.for %scan3A_107 = %scan3A_22 to %scan3A_24 step %scan3A_25  : i32 {
      %mul3A_108 = arith.constant 8 : i32
      %mul3A_109 = arith.muli %mul3A_108, %scan3A_107 : i32
      %add3A_110 = arith.constant 0 : i32
      %add3A_111 = arith.addi %mul3A_109, %add3A_110 : i32
      %lt3A_112 = arith.constant 8 : i32
      %lt3A_113 = arith.cmpi slt, %add3A_111, %lt3A_112 : i32
      %convert_element_type3A = arith.extui %lt3A_113 : i1 to i32
      %cond3A = arith.constant 0 : i32
      %cond3A_114 = arith.cmpi ne, %convert_element_type3A, %cond3A : i32
      scf.if %cond3A_114 {
        %scan3A_639 = arith.constant 0 : i32
        %scan3A_640 = arith.constant 0 : i32
        %scan3A_641 = arith.constant 50 : i32
        %scan3A_642 = arith.addi %scan3A_640, %scan3A_641 : i32
        %scan3A_643 = arith.constant 1 : i32
        scf.for %scan3A_645 = %scan3A_640 to %scan3A_642 step %scan3A_643  : i32 {
          %swap3A_646 = arith.index_cast %scan3A_645 : i32 to index
          %swap3A_647 = arith.constant 0 : index
          %swap3A_648 = tpu.vector_load %arg5[%swap3A_646, %swap3A_647] {strides = array<i32>} : memref<50x128xf32, #tpu.memory_space<vmem>>, vector<16xf32>,
          tpu.vector_store %arg5[%swap3A_646, %swap3A_647], %broadcast_in_dim3A_5 {strides = array<i32>} : memref<50x128xf32, #tpu.memory_space<vmem>>, vector<16xf32>,
          %swap3A_649 = arith.index_cast %scan3A_645 : i32 to index
          %swap3A_650 = arith.constant 16 : index
          %swap3A_651 = tpu.vector_load %arg5[%swap3A_649, %swap3A_650] {strides = array<i32>} : memref<50x128xf32, #tpu.memory_space<vmem>>, vector<16xf32>,
          tpu.vector_store %arg5[%swap3A_649, %swap3A_650], %broadcast_in_dim3A_5 {strides = array<i32>} : memref<50x128xf32, #tpu.memory_space<vmem>>, vector<16xf32>,
          %swap3A_652 = arith.index_cast %scan3A_645 : i32 to index
          %swap3A_653 = arith.constant 32 : index
          %swap3A_654 = tpu.vector_load %arg5[%swap3A_652, %swap3A_653] {strides = array<i32>} : memref<50x128xf32, #tpu.memory_space<vmem>>, vector<16xf32>,
          tpu.vector_store %arg5[%swap3A_652, %swap3A_653], %broadcast_in_dim3A_5 {strides = array<i32>} : memref<50x128xf32, #tpu.memory_space<vmem>>, vector<16xf32>,
          %swap3A_655 = arith.index_cast %scan3A_645 : i32 to index
          %swap3A_656 = arith.constant 48 : index
          %swap3A_657 = tpu.vector_load %arg5[%swap3A_655, %swap3A_656] {strides = array<i32>} : memref<50x128xf32, #tpu.memory_space<vmem>>, vector<16xf32>,
          tpu.vector_store %arg5[%swap3A_655, %swap3A_656], %broadcast_in_dim3A_5 {strides = array<i32>} : memref<50x128xf32, #tpu.memory_space<vmem>>, vector<16xf32>,
          %swap3A_658 = arith.index_cast %scan3A_645 : i32 to index
          %swap3A_659 = arith.constant 64 : index
          %swap3A_660 = tpu.vector_load %arg5[%swap3A_658, %swap3A_659] {strides = array<i32>} : memref<50x128xf32, #tpu.memory_space<vmem>>, vector<16xf32>,
          tpu.vector_store %arg5[%swap3A_658, %swap3A_659], %broadcast_in_dim3A_5 {strides = array<i32>} : memref<50x128xf32, #tpu.memory_space<vmem>>, vector<16xf32>,
          %swap3A_661 = arith.index_cast %scan3A_645 : i32 to index
          %swap3A_662 = arith.constant 80 : index
          %swap3A_663 = tpu.vector_load %arg5[%swap3A_661, %swap3A_662] {strides = array<i32>} : memref<50x128xf32, #tpu.memory_space<vmem>>, vector<16xf32>,
          tpu.vector_store %arg5[%swap3A_661, %swap3A_662], %broadcast_in_dim3A_5 {strides = array<i32>} : memref<50x128xf32, #tpu.memory_space<vmem>>, vector<16xf32>,
          %swap3A_664 = arith.index_cast %scan3A_645 : i32 to index
          %swap3A_665 = arith.constant 96 : index
          %swap3A_666 = tpu.vector_load %arg5[%swap3A_664, %swap3A_665] {strides = array<i32>} : memref<50x128xf32, #tpu.memory_space<vmem>>, vector<16xf32>,
          tpu.vector_store %arg5[%swap3A_664, %swap3A_665], %broadcast_in_dim3A_5 {strides = array<i32>} : memref<50x128xf32, #tpu.memory_space<vmem>>, vector<16xf32>,
          %swap3A_667 = arith.index_cast %scan3A_645 : i32 to index
          %swap3A_668 = arith.constant 112 : index
          %swap3A_669 = tpu.vector_load %arg5[%swap3A_667, %swap3A_668] {strides = array<i32>} : memref<50x128xf32, #tpu.memory_space<vmem>>, vector<16xf32>,
          tpu.vector_store %arg5[%swap3A_667, %swap3A_668], %broadcast_in_dim3A_5 {strides = array<i32>} : memref<50x128xf32, #tpu.memory_space<vmem>>, vector<16xf32>,
        }
        %scan3A_644 = arith.constant 50 : i32
      } else {
      }
      %ge3A = arith.constant 8 : i32
      %ge3A_115 = arith.cmpi sge, %add3A_111, %ge3A : i32
      %convert_element_type3A_116 = arith.extui %ge3A_115 : i1 to i32
      %cond3A_117 = arith.constant 0 : i32
      %cond3A_118 = arith.cmpi ne, %convert_element_type3A_116, %cond3A_117 : i32
      scf.if %cond3A_118 {
        %sub3A = arith.constant 8 : i32
        %sub3A_639 = arith.subi %add3A_111, %sub3A : i32
        %add3A_640 = arith.addi %mul3A_2, %sub3A_639 : i32
        %dma_wait3A_641 = arith.constant 0 : i32
        %dma_wait3A_642 = arith.constant 0 : i32
        %dma_wait3A_643 = tpu.memref_slice %arg4[%add3A_640, %dma_wait3A_641, %dma_wait3A_642] : memref<4096x50x128xf32, #tpu.memory_space<hbm>> -> memref<1x50x128xf32, #tpu.memory_space<hbm>>
        %dma_wait3A_644 = tpu.memref_squeeze %dma_wait3A_643 : memref<1x50x128xf32, #tpu.memory_space<hbm>> -> memref<50x128xf32, #tpu.memory_space<hbm>>
        %dma_wait3A_645 = arith.constant 0 : i32
        %dma_wait3A_646 = arith.constant 0 : i32
        %dma_wait3A_647 = tpu.memref_slice %arg4[%add3A_640, %dma_wait3A_645, %dma_wait3A_646] : memref<4096x50x128xf32, #tpu.memory_space<hbm>> -> memref<1x50x128xf32, #tpu.memory_space<hbm>>
        %dma_wait3A_648 = tpu.memref_squeeze %dma_wait3A_647 : memref<1x50x128xf32, #tpu.memory_space<hbm>> -> memref<50x128xf32, #tpu.memory_space<hbm>>
        tpu.wait_dma2 semaphore(%arg17 : memref<!tpu.dma_semaphore, #tpu.memory_space<semaphore_mem>>) src(%arg5 : memref<50x128xf32, #tpu.memory_space<vmem>>) dst(%dma_wait3A_648 : memref<50x128xf32, #tpu.memory_space<hbm>>)
        %add3A_649 = arith.constant 0 : i32
        %add3A_650 = vector.broadcast %add3A_649 : i32 to vector<16xi32>
        %add3A_651 = arith.addi %iota3A, %add3A_650 : vector<16xi32>
        %get3A_652 = arith.constant 0 : index
        %get3A_653 = tpu.vector_load %arg14[%get3A_652] {strides = array<i32>} : memref<512xi32, #tpu.memory_space<vmem>>, vector<16xi32>,
        tpu.vector_store_idx %arg5[%add3A_651, %get3A_653], %broadcast_in_dim3A_5 : memref<50x128xf32, #tpu.memory_space<vmem>>[vector<16xi32>, vector<16xi32>], vector<16xf32>,
        %add3A_654 = arith.constant 16 : i32
        %add3A_655 = vector.broadcast %add3A_654 : i32 to vector<16xi32>
        %add3A_656 = arith.addi %iota3A, %add3A_655 : vector<16xi32>
        %get3A_657 = arith.constant 16 : index
        %get3A_658 = tpu.vector_load %arg14[%get3A_657] {strides = array<i32>} : memref<512xi32, #tpu.memory_space<vmem>>, vector<16xi32>,
        tpu.vector_store_idx %arg5[%add3A_656, %get3A_658], %broadcast_in_dim3A_5 : memref<50x128xf32, #tpu.memory_space<vmem>>[vector<16xi32>, vector<16xi32>], vector<16xf32>,
        %add3A_659 = arith.constant 32 : i32
        %add3A_660 = vector.broadcast %add3A_659 : i32 to vector<16xi32>
        %add3A_661 = arith.addi %iota3A, %add3A_660 : vector<16xi32>
        %get3A_662 = arith.constant 32 : index
        %get3A_663 = tpu.vector_load %arg14[%get3A_662] {strides = array<i32>} : memref<512xi32, #tpu.memory_space<vmem>>, vector<16xi32>,
        tpu.vector_store_idx %arg5[%add3A_661, %get3A_663], %broadcast_in_dim3A_5 : memref<50x128xf32, #tpu.memory_space<vmem>>[vector<16xi32>, vector<16xi32>], vector<16xf32>,
        %add3A_664 = arith.constant 48 : i32
        %add3A_665 = vector.broadcast %add3A_664 : i32 to vector<16xi32>
        %add3A_666 = arith.addi %iota3A, %add3A_665 : vector<16xi32>
        %get3A_667 = arith.constant 48 : index
        %get3A_668 = tpu.vector_load %arg14[%get3A_667] {strides = array<i32>} : memref<512xi32, #tpu.memory_space<vmem>>, vector<16xi32>,
        tpu.vector_store_idx %arg5[%add3A_666, %get3A_668], %broadcast_in_dim3A_5 masked %lt3A_7 : memref<50x128xf32, #tpu.memory_space<vmem>>[vector<16xi32>, vector<16xi32>], vector<16xf32>, vector<16xi1>
      } else {
      }
      %mul3A_119 = arith.constant 50 : i32
      %mul3A_120 = arith.muli %add3A_111, %mul3A_119 : i32
      %add3A_121 = arith.constant 0 : i32
      %add3A_122 = arith.addi %mul3A_120, %add3A_121 : i32
      %get3A = arith.index_cast %add3A_122 : i32 to index
      %get3A_123 = tpu.vector_load %arg13[%get3A] {strides = array<i32>} : memref<6464xi32, #tpu.memory_space<vmem>>, vector<16xi32>,
      %add3A_124 = arith.constant 0 : i32
      %add3A_125 = vector.broadcast %add3A_124 : i32 to vector<16xi32>
      %add3A_126 = arith.addi %iota3A, %add3A_125 : vector<16xi32>
      tpu.vector_store_idx %arg5[%add3A_126, %get3A_123], %broadcast_in_dim3A_3 : memref<50x128xf32, #tpu.memory_space<vmem>>[vector<16xi32>, vector<16xi32>], vector<16xf32>,
      %swap3A = arith.constant 0 : index
      %swap3A_127 = tpu.vector_load %arg14[%swap3A] {strides = array<i32>} : memref<512xi32, #tpu.memory_space<vmem>>, vector<16xi32>,
      tpu.vector_store %arg14[%swap3A], %get3A_123 {strides = array<i32>} : memref<512xi32, #tpu.memory_space<vmem>>, vector<16xi32>,
      %mul3A_128 = arith.constant 50 : i32
      %mul3A_129 = arith.muli %add3A_111, %mul3A_128 : i32
      %add3A_130 = arith.constant 16 : i32
      %add3A_131 = arith.addi %mul3A_129, %add3A_130 : i32
      %get3A_132 = arith.index_cast %add3A_131 : i32 to index
      %get3A_133 = tpu.vector_load %arg13[%get3A_132] {strides = array<i32>} : memref<6464xi32, #tpu.memory_space<vmem>>, vector<16xi32>,
      %add3A_134 = arith.constant 16 : i32
      %add3A_135 = vector.broadcast %add3A_134 : i32 to vector<16xi32>
      %add3A_136 = arith.addi %iota3A, %add3A_135 : vector<16xi32>
      tpu.vector_store_idx %arg5[%add3A_136, %get3A_133], %broadcast_in_dim3A_3 : memref<50x128xf32, #tpu.memory_space<vmem>>[vector<16xi32>, vector<16xi32>], vector<16xf32>,
      %swap3A_137 = arith.constant 16 : index
      %swap3A_138 = tpu.vector_load %arg14[%swap3A_137] {strides = array<i32>} : memref<512xi32, #tpu.memory_space<vmem>>, vector<16xi32>,
      tpu.vector_store %arg14[%swap3A_137], %get3A_133 {strides = array<i32>} : memref<512xi32, #tpu.memory_space<vmem>>, vector<16xi32>,
      %mul3A_139 = arith.constant 50 : i32
      %mul3A_140 = arith.muli %add3A_111, %mul3A_139 : i32
      %add3A_141 = arith.constant 32 : i32
      %add3A_142 = arith.addi %mul3A_140, %add3A_141 : i32
      %get3A_143 = arith.index_cast %add3A_142 : i32 to index
      %get3A_144 = tpu.vector_load %arg13[%get3A_143] {strides = array<i32>} : memref<6464xi32, #tpu.memory_space<vmem>>, vector<16xi32>,
      %add3A_145 = arith.constant 32 : i32
      %add3A_146 = vector.broadcast %add3A_145 : i32 to vector<16xi32>
      %add3A_147 = arith.addi %iota3A, %add3A_146 : vector<16xi32>
      tpu.vector_store_idx %arg5[%add3A_147, %get3A_144], %broadcast_in_dim3A_3 : memref<50x128xf32, #tpu.memory_space<vmem>>[vector<16xi32>, vector<16xi32>], vector<16xf32>,
      %swap3A_148 = arith.constant 32 : index
      %swap3A_149 = tpu.vector_load %arg14[%swap3A_148] {strides = array<i32>} : memref<512xi32, #tpu.memory_space<vmem>>, vector<16xi32>,
      tpu.vector_store %arg14[%swap3A_148], %get3A_144 {strides = array<i32>} : memref<512xi32, #tpu.memory_space<vmem>>, vector<16xi32>,
      %mul3A_150 = arith.constant 50 : i32
      %mul3A_151 = arith.muli %add3A_111, %mul3A_150 : i32
      %add3A_152 = arith.constant 48 : i32
      %add3A_153 = arith.addi %mul3A_151, %add3A_152 : i32
      %get3A_154 = arith.index_cast %add3A_153 : i32 to index
      %get3A_155 = tpu.vector_load %arg13[%get3A_154] {strides = array<i32>} : memref<6464xi32, #tpu.memory_space<vmem>>, vector<16xi32>,
      %add3A_156 = arith.constant 48 : i32
      %add3A_157 = vector.broadcast %add3A_156 : i32 to vector<16xi32>
      %add3A_158 = arith.addi %iota3A, %add3A_157 : vector<16xi32>
      tpu.vector_store_idx %arg5[%add3A_158, %get3A_155], %broadcast_in_dim3A_3 masked %lt3A_7 : memref<50x128xf32, #tpu.memory_space<vmem>>[vector<16xi32>, vector<16xi32>], vector<16xf32>, vector<16xi1>
      %swap3A_159 = arith.constant 48 : index
      %swap3A_160 = tpu.vector_load %arg14[%swap3A_159] {strides = array<i32>} : memref<512xi32, #tpu.memory_space<vmem>>, vector<16xi32>,
      tpu.vector_store %arg14[%swap3A_159], %get3A_155 {strides = array<i32>} : memref<512xi32, #tpu.memory_space<vmem>>, vector<16xi32>,
      %add3A_161 = arith.addi %mul3A_2, %add3A_111 : i32
      %dma_start3A_162 = arith.constant 0 : i32
      %dma_start3A_163 = arith.constant 0 : i32
      %dma_start3A_164 = tpu.memref_slice %arg4[%add3A_161, %dma_start3A_162, %dma_start3A_163] : memref<4096x50x128xf32, #tpu.memory_space<hbm>> -> memref<1x50x128xf32, #tpu.memory_space<hbm>>
      %dma_start3A_165 = tpu.memref_squeeze %dma_start3A_164 : memref<1x50x128xf32, #tpu.memory_space<hbm>> -> memref<50x128xf32, #tpu.memory_space<hbm>>
      %dma_start3A_166 = arith.constant 0 : i32
      %dma_start3A_167 = arith.constant 0 : i32
      %dma_start3A_168 = tpu.memref_slice %arg4[%add3A_161, %dma_start3A_166, %dma_start3A_167] : memref<4096x50x128xf32, #tpu.memory_space<hbm>> -> memref<1x50x128xf32, #tpu.memory_space<hbm>>
      %dma_start3A_169 = tpu.memref_squeeze %dma_start3A_168 : memref<1x50x128xf32, #tpu.memory_space<hbm>> -> memref<50x128xf32, #tpu.memory_space<hbm>>
      tpu.enqueue_dma source(%arg5 : memref<50x128xf32, #tpu.memory_space<vmem>>) target(%dma_start3A_169 : memref<50x128xf32, #tpu.memory_space<hbm>>) target_semaphore(%arg17 : memref<!tpu.dma_semaphore, #tpu.memory_space<semaphore_mem>>)
      %mul3A_170 = arith.constant 8 : i32
      %mul3A_171 = arith.muli %mul3A_170, %scan3A_107 : i32
      %add3A_172 = arith.constant 1 : i32
      %add3A_173 = arith.addi %mul3A_171, %add3A_172 : i32
      %lt3A_174 = arith.constant 8 : i32
      %lt3A_175 = arith.cmpi slt, %add3A_173, %lt3A_174 : i32
      %convert_element_type3A_176 = arith.extui %lt3A_175 : i1 to i32
      %cond3A_177 = arith.constant 0 : i32
      %cond3A_178 = arith.cmpi ne, %convert_element_type3A_176, %cond3A_177 : i32
      scf.if %cond3A_178 {
        %scan3A_639 = arith.constant 0 : i32
        %scan3A_640 = arith.constant 0 : i32
        %scan3A_641 = arith.constant 50 : i32
        %scan3A_642 = arith.addi %scan3A_640, %scan3A_641 : i32
        %scan3A_643 = arith.constant 1 : i32
        scf.for %scan3A_645 = %scan3A_640 to %scan3A_642 step %scan3A_643  : i32 {
          %swap3A_646 = arith.index_cast %scan3A_645 : i32 to index
          %swap3A_647 = arith.constant 0 : index
          %swap3A_648 = tpu.vector_load %arg6[%swap3A_646, %swap3A_647] {strides = array<i32>} : memref<50x128xf32, #tpu.memory_space<vmem>>, vector<16xf32>,
          tpu.vector_store %arg6[%swap3A_646, %swap3A_647], %broadcast_in_dim3A_5 {strides = array<i32>} : memref<50x128xf32, #tpu.memory_space<vmem>>, vector<16xf32>,
          %swap3A_649 = arith.index_cast %scan3A_645 : i32 to index
          %swap3A_650 = arith.constant 16 : index
          %swap3A_651 = tpu.vector_load %arg6[%swap3A_649, %swap3A_650] {strides = array<i32>} : memref<50x128xf32, #tpu.memory_space<vmem>>, vector<16xf32>,
          tpu.vector_store %arg6[%swap3A_649, %swap3A_650], %broadcast_in_dim3A_5 {strides = array<i32>} : memref<50x128xf32, #tpu.memory_space<vmem>>, vector<16xf32>,
          %swap3A_652 = arith.index_cast %scan3A_645 : i32 to index
          %swap3A_653 = arith.constant 32 : index
          %swap3A_654 = tpu.vector_load %arg6[%swap3A_652, %swap3A_653] {strides = array<i32>} : memref<50x128xf32, #tpu.memory_space<vmem>>, vector<16xf32>,
          tpu.vector_store %arg6[%swap3A_652, %swap3A_653], %broadcast_in_dim3A_5 {strides = array<i32>} : memref<50x128xf32, #tpu.memory_space<vmem>>, vector<16xf32>,
          %swap3A_655 = arith.index_cast %scan3A_645 : i32 to index
          %swap3A_656 = arith.constant 48 : index
          %swap3A_657 = tpu.vector_load %arg6[%swap3A_655, %swap3A_656] {strides = array<i32>} : memref<50x128xf32, #tpu.memory_space<vmem>>, vector<16xf32>,
          tpu.vector_store %arg6[%swap3A_655, %swap3A_656], %broadcast_in_dim3A_5 {strides = array<i32>} : memref<50x128xf32, #tpu.memory_space<vmem>>, vector<16xf32>,
          %swap3A_658 = arith.index_cast %scan3A_645 : i32 to index
          %swap3A_659 = arith.constant 64 : index
          %swap3A_660 = tpu.vector_load %arg6[%swap3A_658, %swap3A_659] {strides = array<i32>} : memref<50x128xf32, #tpu.memory_space<vmem>>, vector<16xf32>,
          tpu.vector_store %arg6[%swap3A_658, %swap3A_659], %broadcast_in_dim3A_5 {strides = array<i32>} : memref<50x128xf32, #tpu.memory_space<vmem>>, vector<16xf32>,
          %swap3A_661 = arith.index_cast %scan3A_645 : i32 to index
          %swap3A_662 = arith.constant 80 : index
          %swap3A_663 = tpu.vector_load %arg6[%swap3A_661, %swap3A_662] {strides = array<i32>} : memref<50x128xf32, #tpu.memory_space<vmem>>, vector<16xf32>,
          tpu.vector_store %arg6[%swap3A_661, %swap3A_662], %broadcast_in_dim3A_5 {strides = array<i32>} : memref<50x128xf32, #tpu.memory_space<vmem>>, vector<16xf32>,
          %swap3A_664 = arith.index_cast %scan3A_645 : i32 to index
          %swap3A_665 = arith.constant 96 : index
          %swap3A_666 = tpu.vector_load %arg6[%swap3A_664, %swap3A_665] {strides = array<i32>} : memref<50x128xf32, #tpu.memory_space<vmem>>, vector<16xf32>,
          tpu.vector_store %arg6[%swap3A_664, %swap3A_665], %broadcast_in_dim3A_5 {strides = array<i32>} : memref<50x128xf32, #tpu.memory_space<vmem>>, vector<16xf32>,
          %swap3A_667 = arith.index_cast %scan3A_645 : i32 to index
          %swap3A_668 = arith.constant 112 : index
          %swap3A_669 = tpu.vector_load %arg6[%swap3A_667, %swap3A_668] {strides = array<i32>} : memref<50x128xf32, #tpu.memory_space<vmem>>, vector<16xf32>,
          tpu.vector_store %arg6[%swap3A_667, %swap3A_668], %broadcast_in_dim3A_5 {strides = array<i32>} : memref<50x128xf32, #tpu.memory_space<vmem>>, vector<16xf32>,
        }
        %scan3A_644 = arith.constant 50 : i32
      } else {
      }
      %ge3A_179 = arith.constant 8 : i32
      %ge3A_180 = arith.cmpi sge, %add3A_173, %ge3A_179 : i32
      %convert_element_type3A_181 = arith.extui %ge3A_180 : i1 to i32
      %cond3A_182 = arith.constant 0 : i32
      %cond3A_183 = arith.cmpi ne, %convert_element_type3A_181, %cond3A_182 : i32
      scf.if %cond3A_183 {
        %sub3A = arith.constant 8 : i32
        %sub3A_639 = arith.subi %add3A_173, %sub3A : i32
        %add3A_640 = arith.addi %mul3A_2, %sub3A_639 : i32
        %dma_wait3A_641 = arith.constant 0 : i32
        %dma_wait3A_642 = arith.constant 0 : i32
        %dma_wait3A_643 = tpu.memref_slice %arg4[%add3A_640, %dma_wait3A_641, %dma_wait3A_642] : memref<4096x50x128xf32, #tpu.memory_space<hbm>> -> memref<1x50x128xf32, #tpu.memory_space<hbm>>
        %dma_wait3A_644 = tpu.memref_squeeze %dma_wait3A_643 : memref<1x50x128xf32, #tpu.memory_space<hbm>> -> memref<50x128xf32, #tpu.memory_space<hbm>>
        %dma_wait3A_645 = arith.constant 0 : i32
        %dma_wait3A_646 = arith.constant 0 : i32
        %dma_wait3A_647 = tpu.memref_slice %arg4[%add3A_640, %dma_wait3A_645, %dma_wait3A_646] : memref<4096x50x128xf32, #tpu.memory_space<hbm>> -> memref<1x50x128xf32, #tpu.memory_space<hbm>>
        %dma_wait3A_648 = tpu.memref_squeeze %dma_wait3A_647 : memref<1x50x128xf32, #tpu.memory_space<hbm>> -> memref<50x128xf32, #tpu.memory_space<hbm>>
        tpu.wait_dma2 semaphore(%arg18 : memref<!tpu.dma_semaphore, #tpu.memory_space<semaphore_mem>>) src(%arg6 : memref<50x128xf32, #tpu.memory_space<vmem>>) dst(%dma_wait3A_648 : memref<50x128xf32, #tpu.memory_space<hbm>>)
        %add3A_649 = arith.constant 0 : i32
        %add3A_650 = vector.broadcast %add3A_649 : i32 to vector<16xi32>
        %add3A_651 = arith.addi %iota3A, %add3A_650 : vector<16xi32>
        %get3A_652 = arith.constant 64 : index
        %get3A_653 = tpu.vector_load %arg14[%get3A_652] {strides = array<i32>} : memref<512xi32, #tpu.memory_space<vmem>>, vector<16xi32>,
        tpu.vector_store_idx %arg6[%add3A_651, %get3A_653], %broadcast_in_dim3A_5 : memref<50x128xf32, #tpu.memory_space<vmem>>[vector<16xi32>, vector<16xi32>], vector<16xf32>,
        %add3A_654 = arith.constant 16 : i32
        %add3A_655 = vector.broadcast %add3A_654 : i32 to vector<16xi32>
        %add3A_656 = arith.addi %iota3A, %add3A_655 : vector<16xi32>
        %get3A_657 = arith.constant 80 : index
        %get3A_658 = tpu.vector_load %arg14[%get3A_657] {strides = array<i32>} : memref<512xi32, #tpu.memory_space<vmem>>, vector<16xi32>,
        tpu.vector_store_idx %arg6[%add3A_656, %get3A_658], %broadcast_in_dim3A_5 : memref<50x128xf32, #tpu.memory_space<vmem>>[vector<16xi32>, vector<16xi32>], vector<16xf32>,
        %add3A_659 = arith.constant 32 : i32
        %add3A_660 = vector.broadcast %add3A_659 : i32 to vector<16xi32>
        %add3A_661 = arith.addi %iota3A, %add3A_660 : vector<16xi32>
        %get3A_662 = arith.constant 96 : index
        %get3A_663 = tpu.vector_load %arg14[%get3A_662] {strides = array<i32>} : memref<512xi32, #tpu.memory_space<vmem>>, vector<16xi32>,
        tpu.vector_store_idx %arg6[%add3A_661, %get3A_663], %broadcast_in_dim3A_5 : memref<50x128xf32, #tpu.memory_space<vmem>>[vector<16xi32>, vector<16xi32>], vector<16xf32>,
        %add3A_664 = arith.constant 48 : i32
        %add3A_665 = vector.broadcast %add3A_664 : i32 to vector<16xi32>
        %add3A_666 = arith.addi %iota3A, %add3A_665 : vector<16xi32>
        %get3A_667 = arith.constant 112 : index
        %get3A_668 = tpu.vector_load %arg14[%get3A_667] {strides = array<i32>} : memref<512xi32, #tpu.memory_space<vmem>>, vector<16xi32>,
        tpu.vector_store_idx %arg6[%add3A_666, %get3A_668], %broadcast_in_dim3A_5 masked %lt3A_7 : memref<50x128xf32, #tpu.memory_space<vmem>>[vector<16xi32>, vector<16xi32>], vector<16xf32>, vector<16xi1>
      } else {
      }
      %mul3A_184 = arith.constant 50 : i32
      %mul3A_185 = arith.muli %add3A_173, %mul3A_184 : i32
      %add3A_186 = arith.constant 0 : i32
      %add3A_187 = arith.addi %mul3A_185, %add3A_186 : i32
      %get3A_188 = arith.index_cast %add3A_187 : i32 to index
      %get3A_189 = tpu.vector_load %arg13[%get3A_188] {strides = array<i32>} : memref<6464xi32, #tpu.memory_space<vmem>>, vector<16xi32>,
      %add3A_190 = arith.constant 0 : i32
      %add3A_191 = vector.broadcast %add3A_190 : i32 to vector<16xi32>
      %add3A_192 = arith.addi %iota3A, %add3A_191 : vector<16xi32>
      tpu.vector_store_idx %arg6[%add3A_192, %get3A_189], %broadcast_in_dim3A_3 : memref<50x128xf32, #tpu.memory_space<vmem>>[vector<16xi32>, vector<16xi32>], vector<16xf32>,
      %swap3A_193 = arith.constant 64 : index
      %swap3A_194 = tpu.vector_load %arg14[%swap3A_193] {strides = array<i32>} : memref<512xi32, #tpu.memory_space<vmem>>, vector<16xi32>,
      tpu.vector_store %arg14[%swap3A_193], %get3A_189 {strides = array<i32>} : memref<512xi32, #tpu.memory_space<vmem>>, vector<16xi32>,
      %mul3A_195 = arith.constant 50 : i32
      %mul3A_196 = arith.muli %add3A_173, %mul3A_195 : i32
      %add3A_197 = arith.constant 16 : i32
      %add3A_198 = arith.addi %mul3A_196, %add3A_197 : i32
      %get3A_199 = arith.index_cast %add3A_198 : i32 to index
      %get3A_200 = tpu.vector_load %arg13[%get3A_199] {strides = array<i32>} : memref<6464xi32, #tpu.memory_space<vmem>>, vector<16xi32>,
      %add3A_201 = arith.constant 16 : i32
      %add3A_202 = vector.broadcast %add3A_201 : i32 to vector<16xi32>
      %add3A_203 = arith.addi %iota3A, %add3A_202 : vector<16xi32>
      tpu.vector_store_idx %arg6[%add3A_203, %get3A_200], %broadcast_in_dim3A_3 : memref<50x128xf32, #tpu.memory_space<vmem>>[vector<16xi32>, vector<16xi32>], vector<16xf32>,
      %swap3A_204 = arith.constant 80 : index
      %swap3A_205 = tpu.vector_load %arg14[%swap3A_204] {strides = array<i32>} : memref<512xi32, #tpu.memory_space<vmem>>, vector<16xi32>,
      tpu.vector_store %arg14[%swap3A_204], %get3A_200 {strides = array<i32>} : memref<512xi32, #tpu.memory_space<vmem>>, vector<16xi32>,
      %mul3A_206 = arith.constant 50 : i32
      %mul3A_207 = arith.muli %add3A_173, %mul3A_206 : i32
      %add3A_208 = arith.constant 32 : i32
      %add3A_209 = arith.addi %mul3A_207, %add3A_208 : i32
      %get3A_210 = arith.index_cast %add3A_209 : i32 to index
      %get3A_211 = tpu.vector_load %arg13[%get3A_210] {strides = array<i32>} : memref<6464xi32, #tpu.memory_space<vmem>>, vector<16xi32>,
      %add3A_212 = arith.constant 32 : i32
      %add3A_213 = vector.broadcast %add3A_212 : i32 to vector<16xi32>
      %add3A_214 = arith.addi %iota3A, %add3A_213 : vector<16xi32>
      tpu.vector_store_idx %arg6[%add3A_214, %get3A_211], %broadcast_in_dim3A_3 : memref<50x128xf32, #tpu.memory_space<vmem>>[vector<16xi32>, vector<16xi32>], vector<16xf32>,
      %swap3A_215 = arith.constant 96 : index
      %swap3A_216 = tpu.vector_load %arg14[%swap3A_215] {strides = array<i32>} : memref<512xi32, #tpu.memory_space<vmem>>, vector<16xi32>,
      tpu.vector_store %arg14[%swap3A_215], %get3A_211 {strides = array<i32>} : memref<512xi32, #tpu.memory_space<vmem>>, vector<16xi32>,
      %mul3A_217 = arith.constant 50 : i32
      %mul3A_218 = arith.muli %add3A_173, %mul3A_217 : i32
      %add3A_219 = arith.constant 48 : i32
      %add3A_220 = arith.addi %mul3A_218, %add3A_219 : i32
      %get3A_221 = arith.index_cast %add3A_220 : i32 to index
      %get3A_222 = tpu.vector_load %arg13[%get3A_221] {strides = array<i32>} : memref<6464xi32, #tpu.memory_space<vmem>>, vector<16xi32>,
      %add3A_223 = arith.constant 48 : i32
      %add3A_224 = vector.broadcast %add3A_223 : i32 to vector<16xi32>
      %add3A_225 = arith.addi %iota3A, %add3A_224 : vector<16xi32>
      tpu.vector_store_idx %arg6[%add3A_225, %get3A_222], %broadcast_in_dim3A_3 masked %lt3A_7 : memref<50x128xf32, #tpu.memory_space<vmem>>[vector<16xi32>, vector<16xi32>], vector<16xf32>, vector<16xi1>
      %swap3A_226 = arith.constant 112 : index
      %swap3A_227 = tpu.vector_load %arg14[%swap3A_226] {strides = array<i32>} : memref<512xi32, #tpu.memory_space<vmem>>, vector<16xi32>,
      tpu.vector_store %arg14[%swap3A_226], %get3A_222 {strides = array<i32>} : memref<512xi32, #tpu.memory_space<vmem>>, vector<16xi32>,
      %add3A_228 = arith.addi %mul3A_2, %add3A_173 : i32
      %dma_start3A_229 = arith.constant 0 : i32
      %dma_start3A_230 = arith.constant 0 : i32
      %dma_start3A_231 = tpu.memref_slice %arg4[%add3A_228, %dma_start3A_229, %dma_start3A_230] : memref<4096x50x128xf32, #tpu.memory_space<hbm>> -> memref<1x50x128xf32, #tpu.memory_space<hbm>>
      %dma_start3A_232 = tpu.memref_squeeze %dma_start3A_231 : memref<1x50x128xf32, #tpu.memory_space<hbm>> -> memref<50x128xf32, #tpu.memory_space<hbm>>
      %dma_start3A_233 = arith.constant 0 : i32
      %dma_start3A_234 = arith.constant 0 : i32
      %dma_start3A_235 = tpu.memref_slice %arg4[%add3A_228, %dma_start3A_233, %dma_start3A_234] : memref<4096x50x128xf32, #tpu.memory_space<hbm>> -> memref<1x50x128xf32, #tpu.memory_space<hbm>>
      %dma_start3A_236 = tpu.memref_squeeze %dma_start3A_235 : memref<1x50x128xf32, #tpu.memory_space<hbm>> -> memref<50x128xf32, #tpu.memory_space<hbm>>
      tpu.enqueue_dma source(%arg6 : memref<50x128xf32, #tpu.memory_space<vmem>>) target(%dma_start3A_236 : memref<50x128xf32, #tpu.memory_space<hbm>>) target_semaphore(%arg18 : memref<!tpu.dma_semaphore, #tpu.memory_space<semaphore_mem>>)
      %mul3A_237 = arith.constant 8 : i32
      %mul3A_238 = arith.muli %mul3A_237, %scan3A_107 : i32
      %add3A_239 = arith.constant 2 : i32
      %add3A_240 = arith.addi %mul3A_238, %add3A_239 : i32
      %lt3A_241 = arith.constant 8 : i32
      %lt3A_242 = arith.cmpi slt, %add3A_240, %lt3A_241 : i32
      %convert_element_type3A_243 = arith.extui %lt3A_242 : i1 to i32
      %cond3A_244 = arith.constant 0 : i32
      %cond3A_245 = arith.cmpi ne, %convert_element_type3A_243, %cond3A_244 : i32
      scf.if %cond3A_245 {
        %scan3A_639 = arith.constant 0 : i32
        %scan3A_640 = arith.constant 0 : i32
        %scan3A_641 = arith.constant 50 : i32
        %scan3A_642 = arith.addi %scan3A_640, %scan3A_641 : i32
        %scan3A_643 = arith.constant 1 : i32
        scf.for %scan3A_645 = %scan3A_640 to %scan3A_642 step %scan3A_643  : i32 {
          %swap3A_646 = arith.index_cast %scan3A_645 : i32 to index
          %swap3A_647 = arith.constant 0 : index
          %swap3A_648 = tpu.vector_load %arg7[%swap3A_646, %swap3A_647] {strides = array<i32>} : memref<50x128xf32, #tpu.memory_space<vmem>>, vector<16xf32>,
          tpu.vector_store %arg7[%swap3A_646, %swap3A_647], %broadcast_in_dim3A_5 {strides = array<i32>} : memref<50x128xf32, #tpu.memory_space<vmem>>, vector<16xf32>,
          %swap3A_649 = arith.index_cast %scan3A_645 : i32 to index
          %swap3A_650 = arith.constant 16 : index
          %swap3A_651 = tpu.vector_load %arg7[%swap3A_649, %swap3A_650] {strides = array<i32>} : memref<50x128xf32, #tpu.memory_space<vmem>>, vector<16xf32>,
          tpu.vector_store %arg7[%swap3A_649, %swap3A_650], %broadcast_in_dim3A_5 {strides = array<i32>} : memref<50x128xf32, #tpu.memory_space<vmem>>, vector<16xf32>,
          %swap3A_652 = arith.index_cast %scan3A_645 : i32 to index
          %swap3A_653 = arith.constant 32 : index
          %swap3A_654 = tpu.vector_load %arg7[%swap3A_652, %swap3A_653] {strides = array<i32>} : memref<50x128xf32, #tpu.memory_space<vmem>>, vector<16xf32>,
          tpu.vector_store %arg7[%swap3A_652, %swap3A_653], %broadcast_in_dim3A_5 {strides = array<i32>} : memref<50x128xf32, #tpu.memory_space<vmem>>, vector<16xf32>,
          %swap3A_655 = arith.index_cast %scan3A_645 : i32 to index
          %swap3A_656 = arith.constant 48 : index
          %swap3A_657 = tpu.vector_load %arg7[%swap3A_655, %swap3A_656] {strides = array<i32>} : memref<50x128xf32, #tpu.memory_space<vmem>>, vector<16xf32>,
          tpu.vector_store %arg7[%swap3A_655, %swap3A_656], %broadcast_in_dim3A_5 {strides = array<i32>} : memref<50x128xf32, #tpu.memory_space<vmem>>, vector<16xf32>,
          %swap3A_658 = arith.index_cast %scan3A_645 : i32 to index
          %swap3A_659 = arith.constant 64 : index
          %swap3A_660 = tpu.vector_load %arg7[%swap3A_658, %swap3A_659] {strides = array<i32>} : memref<50x128xf32, #tpu.memory_space<vmem>>, vector<16xf32>,
          tpu.vector_store %arg7[%swap3A_658, %swap3A_659], %broadcast_in_dim3A_5 {strides = array<i32>} : memref<50x128xf32, #tpu.memory_space<vmem>>, vector<16xf32>,
          %swap3A_661 = arith.index_cast %scan3A_645 : i32 to index
          %swap3A_662 = arith.constant 80 : index
          %swap3A_663 = tpu.vector_load %arg7[%swap3A_661, %swap3A_662] {strides = array<i32>} : memref<50x128xf32, #tpu.memory_space<vmem>>, vector<16xf32>,
          tpu.vector_store %arg7[%swap3A_661, %swap3A_662], %broadcast_in_dim3A_5 {strides = array<i32>} : memref<50x128xf32, #tpu.memory_space<vmem>>, vector<16xf32>,
          %swap3A_664 = arith.index_cast %scan3A_645 : i32 to index
          %swap3A_665 = arith.constant 96 : index
          %swap3A_666 = tpu.vector_load %arg7[%swap3A_664, %swap3A_665] {strides = array<i32>} : memref<50x128xf32, #tpu.memory_space<vmem>>, vector<16xf32>,
          tpu.vector_store %arg7[%swap3A_664, %swap3A_665], %broadcast_in_dim3A_5 {strides = array<i32>} : memref<50x128xf32, #tpu.memory_space<vmem>>, vector<16xf32>,
          %swap3A_667 = arith.index_cast %scan3A_645 : i32 to index
          %swap3A_668 = arith.constant 112 : index
          %swap3A_669 = tpu.vector_load %arg7[%swap3A_667, %swap3A_668] {strides = array<i32>} : memref<50x128xf32, #tpu.memory_space<vmem>>, vector<16xf32>,
          tpu.vector_store %arg7[%swap3A_667, %swap3A_668], %broadcast_in_dim3A_5 {strides = array<i32>} : memref<50x128xf32, #tpu.memory_space<vmem>>, vector<16xf32>,
        }
        %scan3A_644 = arith.constant 50 : i32
      } else {
      }
      %ge3A_246 = arith.constant 8 : i32
      %ge3A_247 = arith.cmpi sge, %add3A_240, %ge3A_246 : i32
      %convert_element_type3A_248 = arith.extui %ge3A_247 : i1 to i32
      %cond3A_249 = arith.constant 0 : i32
      %cond3A_250 = arith.cmpi ne, %convert_element_type3A_248, %cond3A_249 : i32
      scf.if %cond3A_250 {
        %sub3A = arith.constant 8 : i32
        %sub3A_639 = arith.subi %add3A_240, %sub3A : i32
        %add3A_640 = arith.addi %mul3A_2, %sub3A_639 : i32
        %dma_wait3A_641 = arith.constant 0 : i32
        %dma_wait3A_642 = arith.constant 0 : i32
        %dma_wait3A_643 = tpu.memref_slice %arg4[%add3A_640, %dma_wait3A_641, %dma_wait3A_642] : memref<4096x50x128xf32, #tpu.memory_space<hbm>> -> memref<1x50x128xf32, #tpu.memory_space<hbm>>
        %dma_wait3A_644 = tpu.memref_squeeze %dma_wait3A_643 : memref<1x50x128xf32, #tpu.memory_space<hbm>> -> memref<50x128xf32, #tpu.memory_space<hbm>>
        %dma_wait3A_645 = arith.constant 0 : i32
        %dma_wait3A_646 = arith.constant 0 : i32
        %dma_wait3A_647 = tpu.memref_slice %arg4[%add3A_640, %dma_wait3A_645, %dma_wait3A_646] : memref<4096x50x128xf32, #tpu.memory_space<hbm>> -> memref<1x50x128xf32, #tpu.memory_space<hbm>>
        %dma_wait3A_648 = tpu.memref_squeeze %dma_wait3A_647 : memref<1x50x128xf32, #tpu.memory_space<hbm>> -> memref<50x128xf32, #tpu.memory_space<hbm>>
        tpu.wait_dma2 semaphore(%arg19 : memref<!tpu.dma_semaphore, #tpu.memory_space<semaphore_mem>>) src(%arg7 : memref<50x128xf32, #tpu.memory_space<vmem>>) dst(%dma_wait3A_648 : memref<50x128xf32, #tpu.memory_space<hbm>>)
        %add3A_649 = arith.constant 0 : i32
        %add3A_650 = vector.broadcast %add3A_649 : i32 to vector<16xi32>
        %add3A_651 = arith.addi %iota3A, %add3A_650 : vector<16xi32>
        %get3A_652 = arith.constant 128 : index
        %get3A_653 = tpu.vector_load %arg14[%get3A_652] {strides = array<i32>} : memref<512xi32, #tpu.memory_space<vmem>>, vector<16xi32>,
        tpu.vector_store_idx %arg7[%add3A_651, %get3A_653], %broadcast_in_dim3A_5 : memref<50x128xf32, #tpu.memory_space<vmem>>[vector<16xi32>, vector<16xi32>], vector<16xf32>,
        %add3A_654 = arith.constant 16 : i32
        %add3A_655 = vector.broadcast %add3A_654 : i32 to vector<16xi32>
        %add3A_656 = arith.addi %iota3A, %add3A_655 : vector<16xi32>
        %get3A_657 = arith.constant 144 : index
        %get3A_658 = tpu.vector_load %arg14[%get3A_657] {strides = array<i32>} : memref<512xi32, #tpu.memory_space<vmem>>, vector<16xi32>,
        tpu.vector_store_idx %arg7[%add3A_656, %get3A_658], %broadcast_in_dim3A_5 : memref<50x128xf32, #tpu.memory_space<vmem>>[vector<16xi32>, vector<16xi32>], vector<16xf32>,
        %add3A_659 = arith.constant 32 : i32
        %add3A_660 = vector.broadcast %add3A_659 : i32 to vector<16xi32>
        %add3A_661 = arith.addi %iota3A, %add3A_660 : vector<16xi32>
        %get3A_662 = arith.constant 160 : index
        %get3A_663 = tpu.vector_load %arg14[%get3A_662] {strides = array<i32>} : memref<512xi32, #tpu.memory_space<vmem>>, vector<16xi32>,
        tpu.vector_store_idx %arg7[%add3A_661, %get3A_663], %broadcast_in_dim3A_5 : memref<50x128xf32, #tpu.memory_space<vmem>>[vector<16xi32>, vector<16xi32>], vector<16xf32>,
        %add3A_664 = arith.constant 48 : i32
        %add3A_665 = vector.broadcast %add3A_664 : i32 to vector<16xi32>
        %add3A_666 = arith.addi %iota3A, %add3A_665 : vector<16xi32>
        %get3A_667 = arith.constant 176 : index
        %get3A_668 = tpu.vector_load %arg14[%get3A_667] {strides = array<i32>} : memref<512xi32, #tpu.memory_space<vmem>>, vector<16xi32>,
        tpu.vector_store_idx %arg7[%add3A_666, %get3A_668], %broadcast_in_dim3A_5 masked %lt3A_7 : memref<50x128xf32, #tpu.memory_space<vmem>>[vector<16xi32>, vector<16xi32>], vector<16xf32>, vector<16xi1>
      } else {
      }
      %mul3A_251 = arith.constant 50 : i32
      %mul3A_252 = arith.muli %add3A_240, %mul3A_251 : i32
      %add3A_253 = arith.constant 0 : i32
      %add3A_254 = arith.addi %mul3A_252, %add3A_253 : i32
      %get3A_255 = arith.index_cast %add3A_254 : i32 to index
      %get3A_256 = tpu.vector_load %arg13[%get3A_255] {strides = array<i32>} : memref<6464xi32, #tpu.memory_space<vmem>>, vector<16xi32>,
      %add3A_257 = arith.constant 0 : i32
      %add3A_258 = vector.broadcast %add3A_257 : i32 to vector<16xi32>
      %add3A_259 = arith.addi %iota3A, %add3A_258 : vector<16xi32>
      tpu.vector_store_idx %arg7[%add3A_259, %get3A_256], %broadcast_in_dim3A_3 : memref<50x128xf32, #tpu.memory_space<vmem>>[vector<16xi32>, vector<16xi32>], vector<16xf32>,
      %swap3A_260 = arith.constant 128 : index
      %swap3A_261 = tpu.vector_load %arg14[%swap3A_260] {strides = array<i32>} : memref<512xi32, #tpu.memory_space<vmem>>, vector<16xi32>,
      tpu.vector_store %arg14[%swap3A_260], %get3A_256 {strides = array<i32>} : memref<512xi32, #tpu.memory_space<vmem>>, vector<16xi32>,
      %mul3A_262 = arith.constant 50 : i32
      %mul3A_263 = arith.muli %add3A_240, %mul3A_262 : i32
      %add3A_264 = arith.constant 16 : i32
      %add3A_265 = arith.addi %mul3A_263, %add3A_264 : i32
      %get3A_266 = arith.index_cast %add3A_265 : i32 to index
      %get3A_267 = tpu.vector_load %arg13[%get3A_266] {strides = array<i32>} : memref<6464xi32, #tpu.memory_space<vmem>>, vector<16xi32>,
      %add3A_268 = arith.constant 16 : i32
      %add3A_269 = vector.broadcast %add3A_268 : i32 to vector<16xi32>
      %add3A_270 = arith.addi %iota3A, %add3A_269 : vector<16xi32>
      tpu.vector_store_idx %arg7[%add3A_270, %get3A_267], %broadcast_in_dim3A_3 : memref<50x128xf32, #tpu.memory_space<vmem>>[vector<16xi32>, vector<16xi32>], vector<16xf32>,
      %swap3A_271 = arith.constant 144 : index
      %swap3A_272 = tpu.vector_load %arg14[%swap3A_271] {strides = array<i32>} : memref<512xi32, #tpu.memory_space<vmem>>, vector<16xi32>,
      tpu.vector_store %arg14[%swap3A_271], %get3A_267 {strides = array<i32>} : memref<512xi32, #tpu.memory_space<vmem>>, vector<16xi32>,
      %mul3A_273 = arith.constant 50 : i32
      %mul3A_274 = arith.muli %add3A_240, %mul3A_273 : i32
      %add3A_275 = arith.constant 32 : i32
      %add3A_276 = arith.addi %mul3A_274, %add3A_275 : i32
      %get3A_277 = arith.index_cast %add3A_276 : i32 to index
      %get3A_278 = tpu.vector_load %arg13[%get3A_277] {strides = array<i32>} : memref<6464xi32, #tpu.memory_space<vmem>>, vector<16xi32>,
      %add3A_279 = arith.constant 32 : i32
      %add3A_280 = vector.broadcast %add3A_279 : i32 to vector<16xi32>
      %add3A_281 = arith.addi %iota3A, %add3A_280 : vector<16xi32>
      tpu.vector_store_idx %arg7[%add3A_281, %get3A_278], %broadcast_in_dim3A_3 : memref<50x128xf32, #tpu.memory_space<vmem>>[vector<16xi32>, vector<16xi32>], vector<16xf32>,
      %swap3A_282 = arith.constant 160 : index
      %swap3A_283 = tpu.vector_load %arg14[%swap3A_282] {strides = array<i32>} : memref<512xi32, #tpu.memory_space<vmem>>, vector<16xi32>,
      tpu.vector_store %arg14[%swap3A_282], %get3A_278 {strides = array<i32>} : memref<512xi32, #tpu.memory_space<vmem>>, vector<16xi32>,
      %mul3A_284 = arith.constant 50 : i32
      %mul3A_285 = arith.muli %add3A_240, %mul3A_284 : i32
      %add3A_286 = arith.constant 48 : i32
      %add3A_287 = arith.addi %mul3A_285, %add3A_286 : i32
      %get3A_288 = arith.index_cast %add3A_287 : i32 to index
      %get3A_289 = tpu.vector_load %arg13[%get3A_288] {strides = array<i32>} : memref<6464xi32, #tpu.memory_space<vmem>>, vector<16xi32>,
      %add3A_290 = arith.constant 48 : i32
      %add3A_291 = vector.broadcast %add3A_290 : i32 to vector<16xi32>
      %add3A_292 = arith.addi %iota3A, %add3A_291 : vector<16xi32>
      tpu.vector_store_idx %arg7[%add3A_292, %get3A_289], %broadcast_in_dim3A_3 masked %lt3A_7 : memref<50x128xf32, #tpu.memory_space<vmem>>[vector<16xi32>, vector<16xi32>], vector<16xf32>, vector<16xi1>
      %swap3A_293 = arith.constant 176 : index
      %swap3A_294 = tpu.vector_load %arg14[%swap3A_293] {strides = array<i32>} : memref<512xi32, #tpu.memory_space<vmem>>, vector<16xi32>,
      tpu.vector_store %arg14[%swap3A_293], %get3A_289 {strides = array<i32>} : memref<512xi32, #tpu.memory_space<vmem>>, vector<16xi32>,
      %add3A_295 = arith.addi %mul3A_2, %add3A_240 : i32
      %dma_start3A_296 = arith.constant 0 : i32
      %dma_start3A_297 = arith.constant 0 : i32
      %dma_start3A_298 = tpu.memref_slice %arg4[%add3A_295, %dma_start3A_296, %dma_start3A_297] : memref<4096x50x128xf32, #tpu.memory_space<hbm>> -> memref<1x50x128xf32, #tpu.memory_space<hbm>>
      %dma_start3A_299 = tpu.memref_squeeze %dma_start3A_298 : memref<1x50x128xf32, #tpu.memory_space<hbm>> -> memref<50x128xf32, #tpu.memory_space<hbm>>
      %dma_start3A_300 = arith.constant 0 : i32
      %dma_start3A_301 = arith.constant 0 : i32
      %dma_start3A_302 = tpu.memref_slice %arg4[%add3A_295, %dma_start3A_300, %dma_start3A_301] : memref<4096x50x128xf32, #tpu.memory_space<hbm>> -> memref<1x50x128xf32, #tpu.memory_space<hbm>>
      %dma_start3A_303 = tpu.memref_squeeze %dma_start3A_302 : memref<1x50x128xf32, #tpu.memory_space<hbm>> -> memref<50x128xf32, #tpu.memory_space<hbm>>
      tpu.enqueue_dma source(%arg7 : memref<50x128xf32, #tpu.memory_space<vmem>>) target(%dma_start3A_303 : memref<50x128xf32, #tpu.memory_space<hbm>>) target_semaphore(%arg19 : memref<!tpu.dma_semaphore, #tpu.memory_space<semaphore_mem>>)
      %mul3A_304 = arith.constant 8 : i32
      %mul3A_305 = arith.muli %mul3A_304, %scan3A_107 : i32
      %add3A_306 = arith.constant 3 : i32
      %add3A_307 = arith.addi %mul3A_305, %add3A_306 : i32
      %lt3A_308 = arith.constant 8 : i32
      %lt3A_309 = arith.cmpi slt, %add3A_307, %lt3A_308 : i32
      %convert_element_type3A_310 = arith.extui %lt3A_309 : i1 to i32
      %cond3A_311 = arith.constant 0 : i32
      %cond3A_312 = arith.cmpi ne, %convert_element_type3A_310, %cond3A_311 : i32
      scf.if %cond3A_312 {
        %scan3A_639 = arith.constant 0 : i32
        %scan3A_640 = arith.constant 0 : i32
        %scan3A_641 = arith.constant 50 : i32
        %scan3A_642 = arith.addi %scan3A_640, %scan3A_641 : i32
        %scan3A_643 = arith.constant 1 : i32
        scf.for %scan3A_645 = %scan3A_640 to %scan3A_642 step %scan3A_643  : i32 {
          %swap3A_646 = arith.index_cast %scan3A_645 : i32 to index
          %swap3A_647 = arith.constant 0 : index
          %swap3A_648 = tpu.vector_load %arg8[%swap3A_646, %swap3A_647] {strides = array<i32>} : memref<50x128xf32, #tpu.memory_space<vmem>>, vector<16xf32>,
          tpu.vector_store %arg8[%swap3A_646, %swap3A_647], %broadcast_in_dim3A_5 {strides = array<i32>} : memref<50x128xf32, #tpu.memory_space<vmem>>, vector<16xf32>,
          %swap3A_649 = arith.index_cast %scan3A_645 : i32 to index
          %swap3A_650 = arith.constant 16 : index
          %swap3A_651 = tpu.vector_load %arg8[%swap3A_649, %swap3A_650] {strides = array<i32>} : memref<50x128xf32, #tpu.memory_space<vmem>>, vector<16xf32>,
          tpu.vector_store %arg8[%swap3A_649, %swap3A_650], %broadcast_in_dim3A_5 {strides = array<i32>} : memref<50x128xf32, #tpu.memory_space<vmem>>, vector<16xf32>,
          %swap3A_652 = arith.index_cast %scan3A_645 : i32 to index
          %swap3A_653 = arith.constant 32 : index
          %swap3A_654 = tpu.vector_load %arg8[%swap3A_652, %swap3A_653] {strides = array<i32>} : memref<50x128xf32, #tpu.memory_space<vmem>>, vector<16xf32>,
          tpu.vector_store %arg8[%swap3A_652, %swap3A_653], %broadcast_in_dim3A_5 {strides = array<i32>} : memref<50x128xf32, #tpu.memory_space<vmem>>, vector<16xf32>,
          %swap3A_655 = arith.index_cast %scan3A_645 : i32 to index
          %swap3A_656 = arith.constant 48 : index
          %swap3A_657 = tpu.vector_load %arg8[%swap3A_655, %swap3A_656] {strides = array<i32>} : memref<50x128xf32, #tpu.memory_space<vmem>>, vector<16xf32>,
          tpu.vector_store %arg8[%swap3A_655, %swap3A_656], %broadcast_in_dim3A_5 {strides = array<i32>} : memref<50x128xf32, #tpu.memory_space<vmem>>, vector<16xf32>,
          %swap3A_658 = arith.index_cast %scan3A_645 : i32 to index
          %swap3A_659 = arith.constant 64 : index
          %swap3A_660 = tpu.vector_load %arg8[%swap3A_658, %swap3A_659] {strides = array<i32>} : memref<50x128xf32, #tpu.memory_space<vmem>>, vector<16xf32>,
          tpu.vector_store %arg8[%swap3A_658, %swap3A_659], %broadcast_in_dim3A_5 {strides = array<i32>} : memref<50x128xf32, #tpu.memory_space<vmem>>, vector<16xf32>,
          %swap3A_661 = arith.index_cast %scan3A_645 : i32 to index
          %swap3A_662 = arith.constant 80 : index
          %swap3A_663 = tpu.vector_load %arg8[%swap3A_661, %swap3A_662] {strides = array<i32>} : memref<50x128xf32, #tpu.memory_space<vmem>>, vector<16xf32>,
          tpu.vector_store %arg8[%swap3A_661, %swap3A_662], %broadcast_in_dim3A_5 {strides = array<i32>} : memref<50x128xf32, #tpu.memory_space<vmem>>, vector<16xf32>,
          %swap3A_664 = arith.index_cast %scan3A_645 : i32 to index
          %swap3A_665 = arith.constant 96 : index
          %swap3A_666 = tpu.vector_load %arg8[%swap3A_664, %swap3A_665] {strides = array<i32>} : memref<50x128xf32, #tpu.memory_space<vmem>>, vector<16xf32>,
          tpu.vector_store %arg8[%swap3A_664, %swap3A_665], %broadcast_in_dim3A_5 {strides = array<i32>} : memref<50x128xf32, #tpu.memory_space<vmem>>, vector<16xf32>,
          %swap3A_667 = arith.index_cast %scan3A_645 : i32 to index
          %swap3A_668 = arith.constant 112 : index
          %swap3A_669 = tpu.vector_load %arg8[%swap3A_667, %swap3A_668] {strides = array<i32>} : memref<50x128xf32, #tpu.memory_space<vmem>>, vector<16xf32>,
          tpu.vector_store %arg8[%swap3A_667, %swap3A_668], %broadcast_in_dim3A_5 {strides = array<i32>} : memref<50x128xf32, #tpu.memory_space<vmem>>, vector<16xf32>,
        }
        %scan3A_644 = arith.constant 50 : i32
      } else {
      }
      %ge3A_313 = arith.constant 8 : i32
      %ge3A_314 = arith.cmpi sge, %add3A_307, %ge3A_313 : i32
      %convert_element_type3A_315 = arith.extui %ge3A_314 : i1 to i32
      %cond3A_316 = arith.constant 0 : i32
      %cond3A_317 = arith.cmpi ne, %convert_element_type3A_315, %cond3A_316 : i32
      scf.if %cond3A_317 {
        %sub3A = arith.constant 8 : i32
        %sub3A_639 = arith.subi %add3A_307, %sub3A : i32
        %add3A_640 = arith.addi %mul3A_2, %sub3A_639 : i32
        %dma_wait3A_641 = arith.constant 0 : i32
        %dma_wait3A_642 = arith.constant 0 : i32
        %dma_wait3A_643 = tpu.memref_slice %arg4[%add3A_640, %dma_wait3A_641, %dma_wait3A_642] : memref<4096x50x128xf32, #tpu.memory_space<hbm>> -> memref<1x50x128xf32, #tpu.memory_space<hbm>>
        %dma_wait3A_644 = tpu.memref_squeeze %dma_wait3A_643 : memref<1x50x128xf32, #tpu.memory_space<hbm>> -> memref<50x128xf32, #tpu.memory_space<hbm>>
        %dma_wait3A_645 = arith.constant 0 : i32
        %dma_wait3A_646 = arith.constant 0 : i32
        %dma_wait3A_647 = tpu.memref_slice %arg4[%add3A_640, %dma_wait3A_645, %dma_wait3A_646] : memref<4096x50x128xf32, #tpu.memory_space<hbm>> -> memref<1x50x128xf32, #tpu.memory_space<hbm>>
        %dma_wait3A_648 = tpu.memref_squeeze %dma_wait3A_647 : memref<1x50x128xf32, #tpu.memory_space<hbm>> -> memref<50x128xf32, #tpu.memory_space<hbm>>
        tpu.wait_dma2 semaphore(%arg20 : memref<!tpu.dma_semaphore, #tpu.memory_space<semaphore_mem>>) src(%arg8 : memref<50x128xf32, #tpu.memory_space<vmem>>) dst(%dma_wait3A_648 : memref<50x128xf32, #tpu.memory_space<hbm>>)
        %add3A_649 = arith.constant 0 : i32
        %add3A_650 = vector.broadcast %add3A_649 : i32 to vector<16xi32>
        %add3A_651 = arith.addi %iota3A, %add3A_650 : vector<16xi32>
        %get3A_652 = arith.constant 192 : index
        %get3A_653 = tpu.vector_load %arg14[%get3A_652] {strides = array<i32>} : memref<512xi32, #tpu.memory_space<vmem>>, vector<16xi32>,
        tpu.vector_store_idx %arg8[%add3A_651, %get3A_653], %broadcast_in_dim3A_5 : memref<50x128xf32, #tpu.memory_space<vmem>>[vector<16xi32>, vector<16xi32>], vector<16xf32>,
        %add3A_654 = arith.constant 16 : i32
        %add3A_655 = vector.broadcast %add3A_654 : i32 to vector<16xi32>
        %add3A_656 = arith.addi %iota3A, %add3A_655 : vector<16xi32>
        %get3A_657 = arith.constant 208 : index
        %get3A_658 = tpu.vector_load %arg14[%get3A_657] {strides = array<i32>} : memref<512xi32, #tpu.memory_space<vmem>>, vector<16xi32>,
        tpu.vector_store_idx %arg8[%add3A_656, %get3A_658], %broadcast_in_dim3A_5 : memref<50x128xf32, #tpu.memory_space<vmem>>[vector<16xi32>, vector<16xi32>], vector<16xf32>,
        %add3A_659 = arith.constant 32 : i32
        %add3A_660 = vector.broadcast %add3A_659 : i32 to vector<16xi32>
        %add3A_661 = arith.addi %iota3A, %add3A_660 : vector<16xi32>
        %get3A_662 = arith.constant 224 : index
        %get3A_663 = tpu.vector_load %arg14[%get3A_662] {strides = array<i32>} : memref<512xi32, #tpu.memory_space<vmem>>, vector<16xi32>,
        tpu.vector_store_idx %arg8[%add3A_661, %get3A_663], %broadcast_in_dim3A_5 : memref<50x128xf32, #tpu.memory_space<vmem>>[vector<16xi32>, vector<16xi32>], vector<16xf32>,
        %add3A_664 = arith.constant 48 : i32
        %add3A_665 = vector.broadcast %add3A_664 : i32 to vector<16xi32>
        %add3A_666 = arith.addi %iota3A, %add3A_665 : vector<16xi32>
        %get3A_667 = arith.constant 240 : index
        %get3A_668 = tpu.vector_load %arg14[%get3A_667] {strides = array<i32>} : memref<512xi32, #tpu.memory_space<vmem>>, vector<16xi32>,
        tpu.vector_store_idx %arg8[%add3A_666, %get3A_668], %broadcast_in_dim3A_5 masked %lt3A_7 : memref<50x128xf32, #tpu.memory_space<vmem>>[vector<16xi32>, vector<16xi32>], vector<16xf32>, vector<16xi1>
      } else {
      }
      %mul3A_318 = arith.constant 50 : i32
      %mul3A_319 = arith.muli %add3A_307, %mul3A_318 : i32
      %add3A_320 = arith.constant 0 : i32
      %add3A_321 = arith.addi %mul3A_319, %add3A_320 : i32
      %get3A_322 = arith.index_cast %add3A_321 : i32 to index
      %get3A_323 = tpu.vector_load %arg13[%get3A_322] {strides = array<i32>} : memref<6464xi32, #tpu.memory_space<vmem>>, vector<16xi32>,
      %add3A_324 = arith.constant 0 : i32
      %add3A_325 = vector.broadcast %add3A_324 : i32 to vector<16xi32>
      %add3A_326 = arith.addi %iota3A, %add3A_325 : vector<16xi32>
      tpu.vector_store_idx %arg8[%add3A_326, %get3A_323], %broadcast_in_dim3A_3 : memref<50x128xf32, #tpu.memory_space<vmem>>[vector<16xi32>, vector<16xi32>], vector<16xf32>,
      %swap3A_327 = arith.constant 192 : index
      %swap3A_328 = tpu.vector_load %arg14[%swap3A_327] {strides = array<i32>} : memref<512xi32, #tpu.memory_space<vmem>>, vector<16xi32>,
      tpu.vector_store %arg14[%swap3A_327], %get3A_323 {strides = array<i32>} : memref<512xi32, #tpu.memory_space<vmem>>, vector<16xi32>,
      %mul3A_329 = arith.constant 50 : i32
      %mul3A_330 = arith.muli %add3A_307, %mul3A_329 : i32
      %add3A_331 = arith.constant 16 : i32
      %add3A_332 = arith.addi %mul3A_330, %add3A_331 : i32
      %get3A_333 = arith.index_cast %add3A_332 : i32 to index
      %get3A_334 = tpu.vector_load %arg13[%get3A_333] {strides = array<i32>} : memref<6464xi32, #tpu.memory_space<vmem>>, vector<16xi32>,
      %add3A_335 = arith.constant 16 : i32
      %add3A_336 = vector.broadcast %add3A_335 : i32 to vector<16xi32>
      %add3A_337 = arith.addi %iota3A, %add3A_336 : vector<16xi32>
      tpu.vector_store_idx %arg8[%add3A_337, %get3A_334], %broadcast_in_dim3A_3 : memref<50x128xf32, #tpu.memory_space<vmem>>[vector<16xi32>, vector<16xi32>], vector<16xf32>,
      %swap3A_338 = arith.constant 208 : index
      %swap3A_339 = tpu.vector_load %arg14[%swap3A_338] {strides = array<i32>} : memref<512xi32, #tpu.memory_space<vmem>>, vector<16xi32>,
      tpu.vector_store %arg14[%swap3A_338], %get3A_334 {strides = array<i32>} : memref<512xi32, #tpu.memory_space<vmem>>, vector<16xi32>,
      %mul3A_340 = arith.constant 50 : i32
      %mul3A_341 = arith.muli %add3A_307, %mul3A_340 : i32
      %add3A_342 = arith.constant 32 : i32
      %add3A_343 = arith.addi %mul3A_341, %add3A_342 : i32
      %get3A_344 = arith.index_cast %add3A_343 : i32 to index
      %get3A_345 = tpu.vector_load %arg13[%get3A_344] {strides = array<i32>} : memref<6464xi32, #tpu.memory_space<vmem>>, vector<16xi32>,
      %add3A_346 = arith.constant 32 : i32
      %add3A_347 = vector.broadcast %add3A_346 : i32 to vector<16xi32>
      %add3A_348 = arith.addi %iota3A, %add3A_347 : vector<16xi32>
      tpu.vector_store_idx %arg8[%add3A_348, %get3A_345], %broadcast_in_dim3A_3 : memref<50x128xf32, #tpu.memory_space<vmem>>[vector<16xi32>, vector<16xi32>], vector<16xf32>,
      %swap3A_349 = arith.constant 224 : index
      %swap3A_350 = tpu.vector_load %arg14[%swap3A_349] {strides = array<i32>} : memref<512xi32, #tpu.memory_space<vmem>>, vector<16xi32>,
      tpu.vector_store %arg14[%swap3A_349], %get3A_345 {strides = array<i32>} : memref<512xi32, #tpu.memory_space<vmem>>, vector<16xi32>,
      %mul3A_351 = arith.constant 50 : i32
      %mul3A_352 = arith.muli %add3A_307, %mul3A_351 : i32
      %add3A_353 = arith.constant 48 : i32
      %add3A_354 = arith.addi %mul3A_352, %add3A_353 : i32
      %get3A_355 = arith.index_cast %add3A_354 : i32 to index
      %get3A_356 = tpu.vector_load %arg13[%get3A_355] {strides = array<i32>} : memref<6464xi32, #tpu.memory_space<vmem>>, vector<16xi32>,
      %add3A_357 = arith.constant 48 : i32
      %add3A_358 = vector.broadcast %add3A_357 : i32 to vector<16xi32>
      %add3A_359 = arith.addi %iota3A, %add3A_358 : vector<16xi32>
      tpu.vector_store_idx %arg8[%add3A_359, %get3A_356], %broadcast_in_dim3A_3 masked %lt3A_7 : memref<50x128xf32, #tpu.memory_space<vmem>>[vector<16xi32>, vector<16xi32>], vector<16xf32>, vector<16xi1>
      %swap3A_360 = arith.constant 240 : index
      %swap3A_361 = tpu.vector_load %arg14[%swap3A_360] {strides = array<i32>} : memref<512xi32, #tpu.memory_space<vmem>>, vector<16xi32>,
      tpu.vector_store %arg14[%swap3A_360], %get3A_356 {strides = array<i32>} : memref<512xi32, #tpu.memory_space<vmem>>, vector<16xi32>,
      %add3A_362 = arith.addi %mul3A_2, %add3A_307 : i32
      %dma_start3A_363 = arith.constant 0 : i32
      %dma_start3A_364 = arith.constant 0 : i32
      %dma_start3A_365 = tpu.memref_slice %arg4[%add3A_362, %dma_start3A_363, %dma_start3A_364] : memref<4096x50x128xf32, #tpu.memory_space<hbm>> -> memref<1x50x128xf32, #tpu.memory_space<hbm>>
      %dma_start3A_366 = tpu.memref_squeeze %dma_start3A_365 : memref<1x50x128xf32, #tpu.memory_space<hbm>> -> memref<50x128xf32, #tpu.memory_space<hbm>>
      %dma_start3A_367 = arith.constant 0 : i32
      %dma_start3A_368 = arith.constant 0 : i32
      %dma_start3A_369 = tpu.memref_slice %arg4[%add3A_362, %dma_start3A_367, %dma_start3A_368] : memref<4096x50x128xf32, #tpu.memory_space<hbm>> -> memref<1x50x128xf32, #tpu.memory_space<hbm>>
      %dma_start3A_370 = tpu.memref_squeeze %dma_start3A_369 : memref<1x50x128xf32, #tpu.memory_space<hbm>> -> memref<50x128xf32, #tpu.memory_space<hbm>>
      tpu.enqueue_dma source(%arg8 : memref<50x128xf32, #tpu.memory_space<vmem>>) target(%dma_start3A_370 : memref<50x128xf32, #tpu.memory_space<hbm>>) target_semaphore(%arg20 : memref<!tpu.dma_semaphore, #tpu.memory_space<semaphore_mem>>)
      %mul3A_371 = arith.constant 8 : i32
      %mul3A_372 = arith.muli %mul3A_371, %scan3A_107 : i32
      %add3A_373 = arith.constant 4 : i32
      %add3A_374 = arith.addi %mul3A_372, %add3A_373 : i32
      %lt3A_375 = arith.constant 8 : i32
      %lt3A_376 = arith.cmpi slt, %add3A_374, %lt3A_375 : i32
      %convert_element_type3A_377 = arith.extui %lt3A_376 : i1 to i32
      %cond3A_378 = arith.constant 0 : i32
      %cond3A_379 = arith.cmpi ne, %convert_element_type3A_377, %cond3A_378 : i32
      scf.if %cond3A_379 {
        %scan3A_639 = arith.constant 0 : i32
        %scan3A_640 = arith.constant 0 : i32
        %scan3A_641 = arith.constant 50 : i32
        %scan3A_642 = arith.addi %scan3A_640, %scan3A_641 : i32
        %scan3A_643 = arith.constant 1 : i32
        scf.for %scan3A_645 = %scan3A_640 to %scan3A_642 step %scan3A_643  : i32 {
          %swap3A_646 = arith.index_cast %scan3A_645 : i32 to index
          %swap3A_647 = arith.constant 0 : index
          %swap3A_648 = tpu.vector_load %arg9[%swap3A_646, %swap3A_647] {strides = array<i32>} : memref<50x128xf32, #tpu.memory_space<vmem>>, vector<16xf32>,
          tpu.vector_store %arg9[%swap3A_646, %swap3A_647], %broadcast_in_dim3A_5 {strides = array<i32>} : memref<50x128xf32, #tpu.memory_space<vmem>>, vector<16xf32>,
          %swap3A_649 = arith.index_cast %scan3A_645 : i32 to index
          %swap3A_650 = arith.constant 16 : index
          %swap3A_651 = tpu.vector_load %arg9[%swap3A_649, %swap3A_650] {strides = array<i32>} : memref<50x128xf32, #tpu.memory_space<vmem>>, vector<16xf32>,
          tpu.vector_store %arg9[%swap3A_649, %swap3A_650], %broadcast_in_dim3A_5 {strides = array<i32>} : memref<50x128xf32, #tpu.memory_space<vmem>>, vector<16xf32>,
          %swap3A_652 = arith.index_cast %scan3A_645 : i32 to index
          %swap3A_653 = arith.constant 32 : index
          %swap3A_654 = tpu.vector_load %arg9[%swap3A_652, %swap3A_653] {strides = array<i32>} : memref<50x128xf32, #tpu.memory_space<vmem>>, vector<16xf32>,
          tpu.vector_store %arg9[%swap3A_652, %swap3A_653], %broadcast_in_dim3A_5 {strides = array<i32>} : memref<50x128xf32, #tpu.memory_space<vmem>>, vector<16xf32>,
          %swap3A_655 = arith.index_cast %scan3A_645 : i32 to index
          %swap3A_656 = arith.constant 48 : index
          %swap3A_657 = tpu.vector_load %arg9[%swap3A_655, %swap3A_656] {strides = array<i32>} : memref<50x128xf32, #tpu.memory_space<vmem>>, vector<16xf32>,
          tpu.vector_store %arg9[%swap3A_655, %swap3A_656], %broadcast_in_dim3A_5 {strides = array<i32>} : memref<50x128xf32, #tpu.memory_space<vmem>>, vector<16xf32>,
          %swap3A_658 = arith.index_cast %scan3A_645 : i32 to index
          %swap3A_659 = arith.constant 64 : index
          %swap3A_660 = tpu.vector_load %arg9[%swap3A_658, %swap3A_659] {strides = array<i32>} : memref<50x128xf32, #tpu.memory_space<vmem>>, vector<16xf32>,
          tpu.vector_store %arg9[%swap3A_658, %swap3A_659], %broadcast_in_dim3A_5 {strides = array<i32>} : memref<50x128xf32, #tpu.memory_space<vmem>>, vector<16xf32>,
          %swap3A_661 = arith.index_cast %scan3A_645 : i32 to index
          %swap3A_662 = arith.constant 80 : index
          %swap3A_663 = tpu.vector_load %arg9[%swap3A_661, %swap3A_662] {strides = array<i32>} : memref<50x128xf32, #tpu.memory_space<vmem>>, vector<16xf32>,
          tpu.vector_store %arg9[%swap3A_661, %swap3A_662], %broadcast_in_dim3A_5 {strides = array<i32>} : memref<50x128xf32, #tpu.memory_space<vmem>>, vector<16xf32>,
          %swap3A_664 = arith.index_cast %scan3A_645 : i32 to index
          %swap3A_665 = arith.constant 96 : index
          %swap3A_666 = tpu.vector_load %arg9[%swap3A_664, %swap3A_665] {strides = array<i32>} : memref<50x128xf32, #tpu.memory_space<vmem>>, vector<16xf32>,
          tpu.vector_store %arg9[%swap3A_664, %swap3A_665], %broadcast_in_dim3A_5 {strides = array<i32>} : memref<50x128xf32, #tpu.memory_space<vmem>>, vector<16xf32>,
          %swap3A_667 = arith.index_cast %scan3A_645 : i32 to index
          %swap3A_668 = arith.constant 112 : index
          %swap3A_669 = tpu.vector_load %arg9[%swap3A_667, %swap3A_668] {strides = array<i32>} : memref<50x128xf32, #tpu.memory_space<vmem>>, vector<16xf32>,
          tpu.vector_store %arg9[%swap3A_667, %swap3A_668], %broadcast_in_dim3A_5 {strides = array<i32>} : memref<50x128xf32, #tpu.memory_space<vmem>>, vector<16xf32>,
        }
        %scan3A_644 = arith.constant 50 : i32
      } else {
      }
      %ge3A_380 = arith.constant 8 : i32
      %ge3A_381 = arith.cmpi sge, %add3A_374, %ge3A_380 : i32
      %convert_element_type3A_382 = arith.extui %ge3A_381 : i1 to i32
      %cond3A_383 = arith.constant 0 : i32
      %cond3A_384 = arith.cmpi ne, %convert_element_type3A_382, %cond3A_383 : i32
      scf.if %cond3A_384 {
        %sub3A = arith.constant 8 : i32
        %sub3A_639 = arith.subi %add3A_374, %sub3A : i32
        %add3A_640 = arith.addi %mul3A_2, %sub3A_639 : i32
        %dma_wait3A_641 = arith.constant 0 : i32
        %dma_wait3A_642 = arith.constant 0 : i32
        %dma_wait3A_643 = tpu.memref_slice %arg4[%add3A_640, %dma_wait3A_641, %dma_wait3A_642] : memref<4096x50x128xf32, #tpu.memory_space<hbm>> -> memref<1x50x128xf32, #tpu.memory_space<hbm>>
        %dma_wait3A_644 = tpu.memref_squeeze %dma_wait3A_643 : memref<1x50x128xf32, #tpu.memory_space<hbm>> -> memref<50x128xf32, #tpu.memory_space<hbm>>
        %dma_wait3A_645 = arith.constant 0 : i32
        %dma_wait3A_646 = arith.constant 0 : i32
        %dma_wait3A_647 = tpu.memref_slice %arg4[%add3A_640, %dma_wait3A_645, %dma_wait3A_646] : memref<4096x50x128xf32, #tpu.memory_space<hbm>> -> memref<1x50x128xf32, #tpu.memory_space<hbm>>
        %dma_wait3A_648 = tpu.memref_squeeze %dma_wait3A_647 : memref<1x50x128xf32, #tpu.memory_space<hbm>> -> memref<50x128xf32, #tpu.memory_space<hbm>>
        tpu.wait_dma2 semaphore(%arg21 : memref<!tpu.dma_semaphore, #tpu.memory_space<semaphore_mem>>) src(%arg9 : memref<50x128xf32, #tpu.memory_space<vmem>>) dst(%dma_wait3A_648 : memref<50x128xf32, #tpu.memory_space<hbm>>)
        %add3A_649 = arith.constant 0 : i32
        %add3A_650 = vector.broadcast %add3A_649 : i32 to vector<16xi32>
        %add3A_651 = arith.addi %iota3A, %add3A_650 : vector<16xi32>
        %get3A_652 = arith.constant 256 : index
        %get3A_653 = tpu.vector_load %arg14[%get3A_652] {strides = array<i32>} : memref<512xi32, #tpu.memory_space<vmem>>, vector<16xi32>,
        tpu.vector_store_idx %arg9[%add3A_651, %get3A_653], %broadcast_in_dim3A_5 : memref<50x128xf32, #tpu.memory_space<vmem>>[vector<16xi32>, vector<16xi32>], vector<16xf32>,
        %add3A_654 = arith.constant 16 : i32
        %add3A_655 = vector.broadcast %add3A_654 : i32 to vector<16xi32>
        %add3A_656 = arith.addi %iota3A, %add3A_655 : vector<16xi32>
        %get3A_657 = arith.constant 272 : index
        %get3A_658 = tpu.vector_load %arg14[%get3A_657] {strides = array<i32>} : memref<512xi32, #tpu.memory_space<vmem>>, vector<16xi32>,
        tpu.vector_store_idx %arg9[%add3A_656, %get3A_658], %broadcast_in_dim3A_5 : memref<50x128xf32, #tpu.memory_space<vmem>>[vector<16xi32>, vector<16xi32>], vector<16xf32>,
        %add3A_659 = arith.constant 32 : i32
        %add3A_660 = vector.broadcast %add3A_659 : i32 to vector<16xi32>
        %add3A_661 = arith.addi %iota3A, %add3A_660 : vector<16xi32>
        %get3A_662 = arith.constant 288 : index
        %get3A_663 = tpu.vector_load %arg14[%get3A_662] {strides = array<i32>} : memref<512xi32, #tpu.memory_space<vmem>>, vector<16xi32>,
        tpu.vector_store_idx %arg9[%add3A_661, %get3A_663], %broadcast_in_dim3A_5 : memref<50x128xf32, #tpu.memory_space<vmem>>[vector<16xi32>, vector<16xi32>], vector<16xf32>,
        %add3A_664 = arith.constant 48 : i32
        %add3A_665 = vector.broadcast %add3A_664 : i32 to vector<16xi32>
        %add3A_666 = arith.addi %iota3A, %add3A_665 : vector<16xi32>
        %get3A_667 = arith.constant 304 : index
        %get3A_668 = tpu.vector_load %arg14[%get3A_667] {strides = array<i32>} : memref<512xi32, #tpu.memory_space<vmem>>, vector<16xi32>,
        tpu.vector_store_idx %arg9[%add3A_666, %get3A_668], %broadcast_in_dim3A_5 masked %lt3A_7 : memref<50x128xf32, #tpu.memory_space<vmem>>[vector<16xi32>, vector<16xi32>], vector<16xf32>, vector<16xi1>
      } else {
      }
      %mul3A_385 = arith.constant 50 : i32
      %mul3A_386 = arith.muli %add3A_374, %mul3A_385 : i32
      %add3A_387 = arith.constant 0 : i32
      %add3A_388 = arith.addi %mul3A_386, %add3A_387 : i32
      %get3A_389 = arith.index_cast %add3A_388 : i32 to index
      %get3A_390 = tpu.vector_load %arg13[%get3A_389] {strides = array<i32>} : memref<6464xi32, #tpu.memory_space<vmem>>, vector<16xi32>,
      %add3A_391 = arith.constant 0 : i32
      %add3A_392 = vector.broadcast %add3A_391 : i32 to vector<16xi32>
      %add3A_393 = arith.addi %iota3A, %add3A_392 : vector<16xi32>
      tpu.vector_store_idx %arg9[%add3A_393, %get3A_390], %broadcast_in_dim3A_3 : memref<50x128xf32, #tpu.memory_space<vmem>>[vector<16xi32>, vector<16xi32>], vector<16xf32>,
      %swap3A_394 = arith.constant 256 : index
      %swap3A_395 = tpu.vector_load %arg14[%swap3A_394] {strides = array<i32>} : memref<512xi32, #tpu.memory_space<vmem>>, vector<16xi32>,
      tpu.vector_store %arg14[%swap3A_394], %get3A_390 {strides = array<i32>} : memref<512xi32, #tpu.memory_space<vmem>>, vector<16xi32>,
      %mul3A_396 = arith.constant 50 : i32
      %mul3A_397 = arith.muli %add3A_374, %mul3A_396 : i32
      %add3A_398 = arith.constant 16 : i32
      %add3A_399 = arith.addi %mul3A_397, %add3A_398 : i32
      %get3A_400 = arith.index_cast %add3A_399 : i32 to index
      %get3A_401 = tpu.vector_load %arg13[%get3A_400] {strides = array<i32>} : memref<6464xi32, #tpu.memory_space<vmem>>, vector<16xi32>,
      %add3A_402 = arith.constant 16 : i32
      %add3A_403 = vector.broadcast %add3A_402 : i32 to vector<16xi32>
      %add3A_404 = arith.addi %iota3A, %add3A_403 : vector<16xi32>
      tpu.vector_store_idx %arg9[%add3A_404, %get3A_401], %broadcast_in_dim3A_3 : memref<50x128xf32, #tpu.memory_space<vmem>>[vector<16xi32>, vector<16xi32>], vector<16xf32>,
      %swap3A_405 = arith.constant 272 : index
      %swap3A_406 = tpu.vector_load %arg14[%swap3A_405] {strides = array<i32>} : memref<512xi32, #tpu.memory_space<vmem>>, vector<16xi32>,
      tpu.vector_store %arg14[%swap3A_405], %get3A_401 {strides = array<i32>} : memref<512xi32, #tpu.memory_space<vmem>>, vector<16xi32>,
      %mul3A_407 = arith.constant 50 : i32
      %mul3A_408 = arith.muli %add3A_374, %mul3A_407 : i32
      %add3A_409 = arith.constant 32 : i32
      %add3A_410 = arith.addi %mul3A_408, %add3A_409 : i32
      %get3A_411 = arith.index_cast %add3A_410 : i32 to index
      %get3A_412 = tpu.vector_load %arg13[%get3A_411] {strides = array<i32>} : memref<6464xi32, #tpu.memory_space<vmem>>, vector<16xi32>,
      %add3A_413 = arith.constant 32 : i32
      %add3A_414 = vector.broadcast %add3A_413 : i32 to vector<16xi32>
      %add3A_415 = arith.addi %iota3A, %add3A_414 : vector<16xi32>
      tpu.vector_store_idx %arg9[%add3A_415, %get3A_412], %broadcast_in_dim3A_3 : memref<50x128xf32, #tpu.memory_space<vmem>>[vector<16xi32>, vector<16xi32>], vector<16xf32>,
      %swap3A_416 = arith.constant 288 : index
      %swap3A_417 = tpu.vector_load %arg14[%swap3A_416] {strides = array<i32>} : memref<512xi32, #tpu.memory_space<vmem>>, vector<16xi32>,
      tpu.vector_store %arg14[%swap3A_416], %get3A_412 {strides = array<i32>} : memref<512xi32, #tpu.memory_space<vmem>>, vector<16xi32>,
      %mul3A_418 = arith.constant 50 : i32
      %mul3A_419 = arith.muli %add3A_374, %mul3A_418 : i32
      %add3A_420 = arith.constant 48 : i32
      %add3A_421 = arith.addi %mul3A_419, %add3A_420 : i32
      %get3A_422 = arith.index_cast %add3A_421 : i32 to index
      %get3A_423 = tpu.vector_load %arg13[%get3A_422] {strides = array<i32>} : memref<6464xi32, #tpu.memory_space<vmem>>, vector<16xi32>,
      %add3A_424 = arith.constant 48 : i32
      %add3A_425 = vector.broadcast %add3A_424 : i32 to vector<16xi32>
      %add3A_426 = arith.addi %iota3A, %add3A_425 : vector<16xi32>
      tpu.vector_store_idx %arg9[%add3A_426, %get3A_423], %broadcast_in_dim3A_3 masked %lt3A_7 : memref<50x128xf32, #tpu.memory_space<vmem>>[vector<16xi32>, vector<16xi32>], vector<16xf32>, vector<16xi1>
      %swap3A_427 = arith.constant 304 : index
      %swap3A_428 = tpu.vector_load %arg14[%swap3A_427] {strides = array<i32>} : memref<512xi32, #tpu.memory_space<vmem>>, vector<16xi32>,
      tpu.vector_store %arg14[%swap3A_427], %get3A_423 {strides = array<i32>} : memref<512xi32, #tpu.memory_space<vmem>>, vector<16xi32>,
      %add3A_429 = arith.addi %mul3A_2, %add3A_374 : i32
      %dma_start3A_430 = arith.constant 0 : i32
      %dma_start3A_431 = arith.constant 0 : i32
      %dma_start3A_432 = tpu.memref_slice %arg4[%add3A_429, %dma_start3A_430, %dma_start3A_431] : memref<4096x50x128xf32, #tpu.memory_space<hbm>> -> memref<1x50x128xf32, #tpu.memory_space<hbm>>
      %dma_start3A_433 = tpu.memref_squeeze %dma_start3A_432 : memref<1x50x128xf32, #tpu.memory_space<hbm>> -> memref<50x128xf32, #tpu.memory_space<hbm>>
      %dma_start3A_434 = arith.constant 0 : i32
      %dma_start3A_435 = arith.constant 0 : i32
      %dma_start3A_436 = tpu.memref_slice %arg4[%add3A_429, %dma_start3A_434, %dma_start3A_435] : memref<4096x50x128xf32, #tpu.memory_space<hbm>> -> memref<1x50x128xf32, #tpu.memory_space<hbm>>
      %dma_start3A_437 = tpu.memref_squeeze %dma_start3A_436 : memref<1x50x128xf32, #tpu.memory_space<hbm>> -> memref<50x128xf32, #tpu.memory_space<hbm>>
      tpu.enqueue_dma source(%arg9 : memref<50x128xf32, #tpu.memory_space<vmem>>) target(%dma_start3A_437 : memref<50x128xf32, #tpu.memory_space<hbm>>) target_semaphore(%arg21 : memref<!tpu.dma_semaphore, #tpu.memory_space<semaphore_mem>>)
      %mul3A_438 = arith.constant 8 : i32
      %mul3A_439 = arith.muli %mul3A_438, %scan3A_107 : i32
      %add3A_440 = arith.constant 5 : i32
      %add3A_441 = arith.addi %mul3A_439, %add3A_440 : i32
      %lt3A_442 = arith.constant 8 : i32
      %lt3A_443 = arith.cmpi slt, %add3A_441, %lt3A_442 : i32
      %convert_element_type3A_444 = arith.extui %lt3A_443 : i1 to i32
      %cond3A_445 = arith.constant 0 : i32
      %cond3A_446 = arith.cmpi ne, %convert_element_type3A_444, %cond3A_445 : i32
      scf.if %cond3A_446 {
        %scan3A_639 = arith.constant 0 : i32
        %scan3A_640 = arith.constant 0 : i32
        %scan3A_641 = arith.constant 50 : i32
        %scan3A_642 = arith.addi %scan3A_640, %scan3A_641 : i32
        %scan3A_643 = arith.constant 1 : i32
        scf.for %scan3A_645 = %scan3A_640 to %scan3A_642 step %scan3A_643  : i32 {
          %swap3A_646 = arith.index_cast %scan3A_645 : i32 to index
          %swap3A_647 = arith.constant 0 : index
          %swap3A_648 = tpu.vector_load %arg10[%swap3A_646, %swap3A_647] {strides = array<i32>} : memref<50x128xf32, #tpu.memory_space<vmem>>, vector<16xf32>,
          tpu.vector_store %arg10[%swap3A_646, %swap3A_647], %broadcast_in_dim3A_5 {strides = array<i32>} : memref<50x128xf32, #tpu.memory_space<vmem>>, vector<16xf32>,
          %swap3A_649 = arith.index_cast %scan3A_645 : i32 to index
          %swap3A_650 = arith.constant 16 : index
          %swap3A_651 = tpu.vector_load %arg10[%swap3A_649, %swap3A_650] {strides = array<i32>} : memref<50x128xf32, #tpu.memory_space<vmem>>, vector<16xf32>,
          tpu.vector_store %arg10[%swap3A_649, %swap3A_650], %broadcast_in_dim3A_5 {strides = array<i32>} : memref<50x128xf32, #tpu.memory_space<vmem>>, vector<16xf32>,
          %swap3A_652 = arith.index_cast %scan3A_645 : i32 to index
          %swap3A_653 = arith.constant 32 : index
          %swap3A_654 = tpu.vector_load %arg10[%swap3A_652, %swap3A_653] {strides = array<i32>} : memref<50x128xf32, #tpu.memory_space<vmem>>, vector<16xf32>,
          tpu.vector_store %arg10[%swap3A_652, %swap3A_653], %broadcast_in_dim3A_5 {strides = array<i32>} : memref<50x128xf32, #tpu.memory_space<vmem>>, vector<16xf32>,
          %swap3A_655 = arith.index_cast %scan3A_645 : i32 to index
          %swap3A_656 = arith.constant 48 : index
          %swap3A_657 = tpu.vector_load %arg10[%swap3A_655, %swap3A_656] {strides = array<i32>} : memref<50x128xf32, #tpu.memory_space<vmem>>, vector<16xf32>,
          tpu.vector_store %arg10[%swap3A_655, %swap3A_656], %broadcast_in_dim3A_5 {strides = array<i32>} : memref<50x128xf32, #tpu.memory_space<vmem>>, vector<16xf32>,
          %swap3A_658 = arith.index_cast %scan3A_645 : i32 to index
          %swap3A_659 = arith.constant 64 : index
          %swap3A_660 = tpu.vector_load %arg10[%swap3A_658, %swap3A_659] {strides = array<i32>} : memref<50x128xf32, #tpu.memory_space<vmem>>, vector<16xf32>,
          tpu.vector_store %arg10[%swap3A_658, %swap3A_659], %broadcast_in_dim3A_5 {strides = array<i32>} : memref<50x128xf32, #tpu.memory_space<vmem>>, vector<16xf32>,
          %swap3A_661 = arith.index_cast %scan3A_645 : i32 to index
          %swap3A_662 = arith.constant 80 : index
          %swap3A_663 = tpu.vector_load %arg10[%swap3A_661, %swap3A_662] {strides = array<i32>} : memref<50x128xf32, #tpu.memory_space<vmem>>, vector<16xf32>,
          tpu.vector_store %arg10[%swap3A_661, %swap3A_662], %broadcast_in_dim3A_5 {strides = array<i32>} : memref<50x128xf32, #tpu.memory_space<vmem>>, vector<16xf32>,
          %swap3A_664 = arith.index_cast %scan3A_645 : i32 to index
          %swap3A_665 = arith.constant 96 : index
          %swap3A_666 = tpu.vector_load %arg10[%swap3A_664, %swap3A_665] {strides = array<i32>} : memref<50x128xf32, #tpu.memory_space<vmem>>, vector<16xf32>,
          tpu.vector_store %arg10[%swap3A_664, %swap3A_665], %broadcast_in_dim3A_5 {strides = array<i32>} : memref<50x128xf32, #tpu.memory_space<vmem>>, vector<16xf32>,
          %swap3A_667 = arith.index_cast %scan3A_645 : i32 to index
          %swap3A_668 = arith.constant 112 : index
          %swap3A_669 = tpu.vector_load %arg10[%swap3A_667, %swap3A_668] {strides = array<i32>} : memref<50x128xf32, #tpu.memory_space<vmem>>, vector<16xf32>,
          tpu.vector_store %arg10[%swap3A_667, %swap3A_668], %broadcast_in_dim3A_5 {strides = array<i32>} : memref<50x128xf32, #tpu.memory_space<vmem>>, vector<16xf32>,
        }
        %scan3A_644 = arith.constant 50 : i32
      } else {
      }
      %ge3A_447 = arith.constant 8 : i32
      %ge3A_448 = arith.cmpi sge, %add3A_441, %ge3A_447 : i32
      %convert_element_type3A_449 = arith.extui %ge3A_448 : i1 to i32
      %cond3A_450 = arith.constant 0 : i32
      %cond3A_451 = arith.cmpi ne, %convert_element_type3A_449, %cond3A_450 : i32
      scf.if %cond3A_451 {
        %sub3A = arith.constant 8 : i32
        %sub3A_639 = arith.subi %add3A_441, %sub3A : i32
        %add3A_640 = arith.addi %mul3A_2, %sub3A_639 : i32
        %dma_wait3A_641 = arith.constant 0 : i32
        %dma_wait3A_642 = arith.constant 0 : i32
        %dma_wait3A_643 = tpu.memref_slice %arg4[%add3A_640, %dma_wait3A_641, %dma_wait3A_642] : memref<4096x50x128xf32, #tpu.memory_space<hbm>> -> memref<1x50x128xf32, #tpu.memory_space<hbm>>
        %dma_wait3A_644 = tpu.memref_squeeze %dma_wait3A_643 : memref<1x50x128xf32, #tpu.memory_space<hbm>> -> memref<50x128xf32, #tpu.memory_space<hbm>>
        %dma_wait3A_645 = arith.constant 0 : i32
        %dma_wait3A_646 = arith.constant 0 : i32
        %dma_wait3A_647 = tpu.memref_slice %arg4[%add3A_640, %dma_wait3A_645, %dma_wait3A_646] : memref<4096x50x128xf32, #tpu.memory_space<hbm>> -> memref<1x50x128xf32, #tpu.memory_space<hbm>>
        %dma_wait3A_648 = tpu.memref_squeeze %dma_wait3A_647 : memref<1x50x128xf32, #tpu.memory_space<hbm>> -> memref<50x128xf32, #tpu.memory_space<hbm>>
        tpu.wait_dma2 semaphore(%arg22 : memref<!tpu.dma_semaphore, #tpu.memory_space<semaphore_mem>>) src(%arg10 : memref<50x128xf32, #tpu.memory_space<vmem>>) dst(%dma_wait3A_648 : memref<50x128xf32, #tpu.memory_space<hbm>>)
        %add3A_649 = arith.constant 0 : i32
        %add3A_650 = vector.broadcast %add3A_649 : i32 to vector<16xi32>
        %add3A_651 = arith.addi %iota3A, %add3A_650 : vector<16xi32>
        %get3A_652 = arith.constant 320 : index
        %get3A_653 = tpu.vector_load %arg14[%get3A_652] {strides = array<i32>} : memref<512xi32, #tpu.memory_space<vmem>>, vector<16xi32>,
        tpu.vector_store_idx %arg10[%add3A_651, %get3A_653], %broadcast_in_dim3A_5 : memref<50x128xf32, #tpu.memory_space<vmem>>[vector<16xi32>, vector<16xi32>], vector<16xf32>,
        %add3A_654 = arith.constant 16 : i32
        %add3A_655 = vector.broadcast %add3A_654 : i32 to vector<16xi32>
        %add3A_656 = arith.addi %iota3A, %add3A_655 : vector<16xi32>
        %get3A_657 = arith.constant 336 : index
        %get3A_658 = tpu.vector_load %arg14[%get3A_657] {strides = array<i32>} : memref<512xi32, #tpu.memory_space<vmem>>, vector<16xi32>,
        tpu.vector_store_idx %arg10[%add3A_656, %get3A_658], %broadcast_in_dim3A_5 : memref<50x128xf32, #tpu.memory_space<vmem>>[vector<16xi32>, vector<16xi32>], vector<16xf32>,
        %add3A_659 = arith.constant 32 : i32
        %add3A_660 = vector.broadcast %add3A_659 : i32 to vector<16xi32>
        %add3A_661 = arith.addi %iota3A, %add3A_660 : vector<16xi32>
        %get3A_662 = arith.constant 352 : index
        %get3A_663 = tpu.vector_load %arg14[%get3A_662] {strides = array<i32>} : memref<512xi32, #tpu.memory_space<vmem>>, vector<16xi32>,
        tpu.vector_store_idx %arg10[%add3A_661, %get3A_663], %broadcast_in_dim3A_5 : memref<50x128xf32, #tpu.memory_space<vmem>>[vector<16xi32>, vector<16xi32>], vector<16xf32>,
        %add3A_664 = arith.constant 48 : i32
        %add3A_665 = vector.broadcast %add3A_664 : i32 to vector<16xi32>
        %add3A_666 = arith.addi %iota3A, %add3A_665 : vector<16xi32>
        %get3A_667 = arith.constant 368 : index
        %get3A_668 = tpu.vector_load %arg14[%get3A_667] {strides = array<i32>} : memref<512xi32, #tpu.memory_space<vmem>>, vector<16xi32>,
        tpu.vector_store_idx %arg10[%add3A_666, %get3A_668], %broadcast_in_dim3A_5 masked %lt3A_7 : memref<50x128xf32, #tpu.memory_space<vmem>>[vector<16xi32>, vector<16xi32>], vector<16xf32>, vector<16xi1>
      } else {
      }
      %mul3A_452 = arith.constant 50 : i32
      %mul3A_453 = arith.muli %add3A_441, %mul3A_452 : i32
      %add3A_454 = arith.constant 0 : i32
      %add3A_455 = arith.addi %mul3A_453, %add3A_454 : i32
      %get3A_456 = arith.index_cast %add3A_455 : i32 to index
      %get3A_457 = tpu.vector_load %arg13[%get3A_456] {strides = array<i32>} : memref<6464xi32, #tpu.memory_space<vmem>>, vector<16xi32>,
      %add3A_458 = arith.constant 0 : i32
      %add3A_459 = vector.broadcast %add3A_458 : i32 to vector<16xi32>
      %add3A_460 = arith.addi %iota3A, %add3A_459 : vector<16xi32>
      tpu.vector_store_idx %arg10[%add3A_460, %get3A_457], %broadcast_in_dim3A_3 : memref<50x128xf32, #tpu.memory_space<vmem>>[vector<16xi32>, vector<16xi32>], vector<16xf32>,
      %swap3A_461 = arith.constant 320 : index
      %swap3A_462 = tpu.vector_load %arg14[%swap3A_461] {strides = array<i32>} : memref<512xi32, #tpu.memory_space<vmem>>, vector<16xi32>,
      tpu.vector_store %arg14[%swap3A_461], %get3A_457 {strides = array<i32>} : memref<512xi32, #tpu.memory_space<vmem>>, vector<16xi32>,
      %mul3A_463 = arith.constant 50 : i32
      %mul3A_464 = arith.muli %add3A_441, %mul3A_463 : i32
      %add3A_465 = arith.constant 16 : i32
      %add3A_466 = arith.addi %mul3A_464, %add3A_465 : i32
      %get3A_467 = arith.index_cast %add3A_466 : i32 to index
      %get3A_468 = tpu.vector_load %arg13[%get3A_467] {strides = array<i32>} : memref<6464xi32, #tpu.memory_space<vmem>>, vector<16xi32>,
      %add3A_469 = arith.constant 16 : i32
      %add3A_470 = vector.broadcast %add3A_469 : i32 to vector<16xi32>
      %add3A_471 = arith.addi %iota3A, %add3A_470 : vector<16xi32>
      tpu.vector_store_idx %arg10[%add3A_471, %get3A_468], %broadcast_in_dim3A_3 : memref<50x128xf32, #tpu.memory_space<vmem>>[vector<16xi32>, vector<16xi32>], vector<16xf32>,
      %swap3A_472 = arith.constant 336 : index
      %swap3A_473 = tpu.vector_load %arg14[%swap3A_472] {strides = array<i32>} : memref<512xi32, #tpu.memory_space<vmem>>, vector<16xi32>,
      tpu.vector_store %arg14[%swap3A_472], %get3A_468 {strides = array<i32>} : memref<512xi32, #tpu.memory_space<vmem>>, vector<16xi32>,
      %mul3A_474 = arith.constant 50 : i32
      %mul3A_475 = arith.muli %add3A_441, %mul3A_474 : i32
      %add3A_476 = arith.constant 32 : i32
      %add3A_477 = arith.addi %mul3A_475, %add3A_476 : i32
      %get3A_478 = arith.index_cast %add3A_477 : i32 to index
      %get3A_479 = tpu.vector_load %arg13[%get3A_478] {strides = array<i32>} : memref<6464xi32, #tpu.memory_space<vmem>>, vector<16xi32>,
      %add3A_480 = arith.constant 32 : i32
      %add3A_481 = vector.broadcast %add3A_480 : i32 to vector<16xi32>
      %add3A_482 = arith.addi %iota3A, %add3A_481 : vector<16xi32>
      tpu.vector_store_idx %arg10[%add3A_482, %get3A_479], %broadcast_in_dim3A_3 : memref<50x128xf32, #tpu.memory_space<vmem>>[vector<16xi32>, vector<16xi32>], vector<16xf32>,
      %swap3A_483 = arith.constant 352 : index
      %swap3A_484 = tpu.vector_load %arg14[%swap3A_483] {strides = array<i32>} : memref<512xi32, #tpu.memory_space<vmem>>, vector<16xi32>,
      tpu.vector_store %arg14[%swap3A_483], %get3A_479 {strides = array<i32>} : memref<512xi32, #tpu.memory_space<vmem>>, vector<16xi32>,
      %mul3A_485 = arith.constant 50 : i32
      %mul3A_486 = arith.muli %add3A_441, %mul3A_485 : i32
      %add3A_487 = arith.constant 48 : i32
      %add3A_488 = arith.addi %mul3A_486, %add3A_487 : i32
      %get3A_489 = arith.index_cast %add3A_488 : i32 to index
      %get3A_490 = tpu.vector_load %arg13[%get3A_489] {strides = array<i32>} : memref<6464xi32, #tpu.memory_space<vmem>>, vector<16xi32>,
      %add3A_491 = arith.constant 48 : i32
      %add3A_492 = vector.broadcast %add3A_491 : i32 to vector<16xi32>
      %add3A_493 = arith.addi %iota3A, %add3A_492 : vector<16xi32>
      tpu.vector_store_idx %arg10[%add3A_493, %get3A_490], %broadcast_in_dim3A_3 masked %lt3A_7 : memref<50x128xf32, #tpu.memory_space<vmem>>[vector<16xi32>, vector<16xi32>], vector<16xf32>, vector<16xi1>
      %swap3A_494 = arith.constant 368 : index
      %swap3A_495 = tpu.vector_load %arg14[%swap3A_494] {strides = array<i32>} : memref<512xi32, #tpu.memory_space<vmem>>, vector<16xi32>,
      tpu.vector_store %arg14[%swap3A_494], %get3A_490 {strides = array<i32>} : memref<512xi32, #tpu.memory_space<vmem>>, vector<16xi32>,
      %add3A_496 = arith.addi %mul3A_2, %add3A_441 : i32
      %dma_start3A_497 = arith.constant 0 : i32
      %dma_start3A_498 = arith.constant 0 : i32
      %dma_start3A_499 = tpu.memref_slice %arg4[%add3A_496, %dma_start3A_497, %dma_start3A_498] : memref<4096x50x128xf32, #tpu.memory_space<hbm>> -> memref<1x50x128xf32, #tpu.memory_space<hbm>>
      %dma_start3A_500 = tpu.memref_squeeze %dma_start3A_499 : memref<1x50x128xf32, #tpu.memory_space<hbm>> -> memref<50x128xf32, #tpu.memory_space<hbm>>
      %dma_start3A_501 = arith.constant 0 : i32
      %dma_start3A_502 = arith.constant 0 : i32
      %dma_start3A_503 = tpu.memref_slice %arg4[%add3A_496, %dma_start3A_501, %dma_start3A_502] : memref<4096x50x128xf32, #tpu.memory_space<hbm>> -> memref<1x50x128xf32, #tpu.memory_space<hbm>>
      %dma_start3A_504 = tpu.memref_squeeze %dma_start3A_503 : memref<1x50x128xf32, #tpu.memory_space<hbm>> -> memref<50x128xf32, #tpu.memory_space<hbm>>
      tpu.enqueue_dma source(%arg10 : memref<50x128xf32, #tpu.memory_space<vmem>>) target(%dma_start3A_504 : memref<50x128xf32, #tpu.memory_space<hbm>>) target_semaphore(%arg22 : memref<!tpu.dma_semaphore, #tpu.memory_space<semaphore_mem>>)
      %mul3A_505 = arith.constant 8 : i32
      %mul3A_506 = arith.muli %mul3A_505, %scan3A_107 : i32
      %add3A_507 = arith.constant 6 : i32
      %add3A_508 = arith.addi %mul3A_506, %add3A_507 : i32
      %lt3A_509 = arith.constant 8 : i32
      %lt3A_510 = arith.cmpi slt, %add3A_508, %lt3A_509 : i32
      %convert_element_type3A_511 = arith.extui %lt3A_510 : i1 to i32
      %cond3A_512 = arith.constant 0 : i32
      %cond3A_513 = arith.cmpi ne, %convert_element_type3A_511, %cond3A_512 : i32
      scf.if %cond3A_513 {
        %scan3A_639 = arith.constant 0 : i32
        %scan3A_640 = arith.constant 0 : i32
        %scan3A_641 = arith.constant 50 : i32
        %scan3A_642 = arith.addi %scan3A_640, %scan3A_641 : i32
        %scan3A_643 = arith.constant 1 : i32
        scf.for %scan3A_645 = %scan3A_640 to %scan3A_642 step %scan3A_643  : i32 {
          %swap3A_646 = arith.index_cast %scan3A_645 : i32 to index
          %swap3A_647 = arith.constant 0 : index
          %swap3A_648 = tpu.vector_load %arg11[%swap3A_646, %swap3A_647] {strides = array<i32>} : memref<50x128xf32, #tpu.memory_space<vmem>>, vector<16xf32>,
          tpu.vector_store %arg11[%swap3A_646, %swap3A_647], %broadcast_in_dim3A_5 {strides = array<i32>} : memref<50x128xf32, #tpu.memory_space<vmem>>, vector<16xf32>,
          %swap3A_649 = arith.index_cast %scan3A_645 : i32 to index
          %swap3A_650 = arith.constant 16 : index
          %swap3A_651 = tpu.vector_load %arg11[%swap3A_649, %swap3A_650] {strides = array<i32>} : memref<50x128xf32, #tpu.memory_space<vmem>>, vector<16xf32>,
          tpu.vector_store %arg11[%swap3A_649, %swap3A_650], %broadcast_in_dim3A_5 {strides = array<i32>} : memref<50x128xf32, #tpu.memory_space<vmem>>, vector<16xf32>,
          %swap3A_652 = arith.index_cast %scan3A_645 : i32 to index
          %swap3A_653 = arith.constant 32 : index
          %swap3A_654 = tpu.vector_load %arg11[%swap3A_652, %swap3A_653] {strides = array<i32>} : memref<50x128xf32, #tpu.memory_space<vmem>>, vector<16xf32>,
          tpu.vector_store %arg11[%swap3A_652, %swap3A_653], %broadcast_in_dim3A_5 {strides = array<i32>} : memref<50x128xf32, #tpu.memory_space<vmem>>, vector<16xf32>,
          %swap3A_655 = arith.index_cast %scan3A_645 : i32 to index
          %swap3A_656 = arith.constant 48 : index
          %swap3A_657 = tpu.vector_load %arg11[%swap3A_655, %swap3A_656] {strides = array<i32>} : memref<50x128xf32, #tpu.memory_space<vmem>>, vector<16xf32>,
          tpu.vector_store %arg11[%swap3A_655, %swap3A_656], %broadcast_in_dim3A_5 {strides = array<i32>} : memref<50x128xf32, #tpu.memory_space<vmem>>, vector<16xf32>,
          %swap3A_658 = arith.index_cast %scan3A_645 : i32 to index
          %swap3A_659 = arith.constant 64 : index
          %swap3A_660 = tpu.vector_load %arg11[%swap3A_658, %swap3A_659] {strides = array<i32>} : memref<50x128xf32, #tpu.memory_space<vmem>>, vector<16xf32>,
          tpu.vector_store %arg11[%swap3A_658, %swap3A_659], %broadcast_in_dim3A_5 {strides = array<i32>} : memref<50x128xf32, #tpu.memory_space<vmem>>, vector<16xf32>,
          %swap3A_661 = arith.index_cast %scan3A_645 : i32 to index
          %swap3A_662 = arith.constant 80 : index
          %swap3A_663 = tpu.vector_load %arg11[%swap3A_661, %swap3A_662] {strides = array<i32>} : memref<50x128xf32, #tpu.memory_space<vmem>>, vector<16xf32>,
          tpu.vector_store %arg11[%swap3A_661, %swap3A_662], %broadcast_in_dim3A_5 {strides = array<i32>} : memref<50x128xf32, #tpu.memory_space<vmem>>, vector<16xf32>,
          %swap3A_664 = arith.index_cast %scan3A_645 : i32 to index
          %swap3A_665 = arith.constant 96 : index
          %swap3A_666 = tpu.vector_load %arg11[%swap3A_664, %swap3A_665] {strides = array<i32>} : memref<50x128xf32, #tpu.memory_space<vmem>>, vector<16xf32>,
          tpu.vector_store %arg11[%swap3A_664, %swap3A_665], %broadcast_in_dim3A_5 {strides = array<i32>} : memref<50x128xf32, #tpu.memory_space<vmem>>, vector<16xf32>,
          %swap3A_667 = arith.index_cast %scan3A_645 : i32 to index
          %swap3A_668 = arith.constant 112 : index
          %swap3A_669 = tpu.vector_load %arg11[%swap3A_667, %swap3A_668] {strides = array<i32>} : memref<50x128xf32, #tpu.memory_space<vmem>>, vector<16xf32>,
          tpu.vector_store %arg11[%swap3A_667, %swap3A_668], %broadcast_in_dim3A_5 {strides = array<i32>} : memref<50x128xf32, #tpu.memory_space<vmem>>, vector<16xf32>,
        }
        %scan3A_644 = arith.constant 50 : i32
      } else {
      }
      %ge3A_514 = arith.constant 8 : i32
      %ge3A_515 = arith.cmpi sge, %add3A_508, %ge3A_514 : i32
      %convert_element_type3A_516 = arith.extui %ge3A_515 : i1 to i32
      %cond3A_517 = arith.constant 0 : i32
      %cond3A_518 = arith.cmpi ne, %convert_element_type3A_516, %cond3A_517 : i32
      scf.if %cond3A_518 {
        %sub3A = arith.constant 8 : i32
        %sub3A_639 = arith.subi %add3A_508, %sub3A : i32
        %add3A_640 = arith.addi %mul3A_2, %sub3A_639 : i32
        %dma_wait3A_641 = arith.constant 0 : i32
        %dma_wait3A_642 = arith.constant 0 : i32
        %dma_wait3A_643 = tpu.memref_slice %arg4[%add3A_640, %dma_wait3A_641, %dma_wait3A_642] : memref<4096x50x128xf32, #tpu.memory_space<hbm>> -> memref<1x50x128xf32, #tpu.memory_space<hbm>>
        %dma_wait3A_644 = tpu.memref_squeeze %dma_wait3A_643 : memref<1x50x128xf32, #tpu.memory_space<hbm>> -> memref<50x128xf32, #tpu.memory_space<hbm>>
        %dma_wait3A_645 = arith.constant 0 : i32
        %dma_wait3A_646 = arith.constant 0 : i32
        %dma_wait3A_647 = tpu.memref_slice %arg4[%add3A_640, %dma_wait3A_645, %dma_wait3A_646] : memref<4096x50x128xf32, #tpu.memory_space<hbm>> -> memref<1x50x128xf32, #tpu.memory_space<hbm>>
        %dma_wait3A_648 = tpu.memref_squeeze %dma_wait3A_647 : memref<1x50x128xf32, #tpu.memory_space<hbm>> -> memref<50x128xf32, #tpu.memory_space<hbm>>
        tpu.wait_dma2 semaphore(%arg23 : memref<!tpu.dma_semaphore, #tpu.memory_space<semaphore_mem>>) src(%arg11 : memref<50x128xf32, #tpu.memory_space<vmem>>) dst(%dma_wait3A_648 : memref<50x128xf32, #tpu.memory_space<hbm>>)
        %add3A_649 = arith.constant 0 : i32
        %add3A_650 = vector.broadcast %add3A_649 : i32 to vector<16xi32>
        %add3A_651 = arith.addi %iota3A, %add3A_650 : vector<16xi32>
        %get3A_652 = arith.constant 384 : index
        %get3A_653 = tpu.vector_load %arg14[%get3A_652] {strides = array<i32>} : memref<512xi32, #tpu.memory_space<vmem>>, vector<16xi32>,
        tpu.vector_store_idx %arg11[%add3A_651, %get3A_653], %broadcast_in_dim3A_5 : memref<50x128xf32, #tpu.memory_space<vmem>>[vector<16xi32>, vector<16xi32>], vector<16xf32>,
        %add3A_654 = arith.constant 16 : i32
        %add3A_655 = vector.broadcast %add3A_654 : i32 to vector<16xi32>
        %add3A_656 = arith.addi %iota3A, %add3A_655 : vector<16xi32>
        %get3A_657 = arith.constant 400 : index
        %get3A_658 = tpu.vector_load %arg14[%get3A_657] {strides = array<i32>} : memref<512xi32, #tpu.memory_space<vmem>>, vector<16xi32>,
        tpu.vector_store_idx %arg11[%add3A_656, %get3A_658], %broadcast_in_dim3A_5 : memref<50x128xf32, #tpu.memory_space<vmem>>[vector<16xi32>, vector<16xi32>], vector<16xf32>,
        %add3A_659 = arith.constant 32 : i32
        %add3A_660 = vector.broadcast %add3A_659 : i32 to vector<16xi32>
        %add3A_661 = arith.addi %iota3A, %add3A_660 : vector<16xi32>
        %get3A_662 = arith.constant 416 : index
        %get3A_663 = tpu.vector_load %arg14[%get3A_662] {strides = array<i32>} : memref<512xi32, #tpu.memory_space<vmem>>, vector<16xi32>,
        tpu.vector_store_idx %arg11[%add3A_661, %get3A_663], %broadcast_in_dim3A_5 : memref<50x128xf32, #tpu.memory_space<vmem>>[vector<16xi32>, vector<16xi32>], vector<16xf32>,
        %add3A_664 = arith.constant 48 : i32
        %add3A_665 = vector.broadcast %add3A_664 : i32 to vector<16xi32>
        %add3A_666 = arith.addi %iota3A, %add3A_665 : vector<16xi32>
        %get3A_667 = arith.constant 432 : index
        %get3A_668 = tpu.vector_load %arg14[%get3A_667] {strides = array<i32>} : memref<512xi32, #tpu.memory_space<vmem>>, vector<16xi32>,
        tpu.vector_store_idx %arg11[%add3A_666, %get3A_668], %broadcast_in_dim3A_5 masked %lt3A_7 : memref<50x128xf32, #tpu.memory_space<vmem>>[vector<16xi32>, vector<16xi32>], vector<16xf32>, vector<16xi1>
      } else {
      }
      %mul3A_519 = arith.constant 50 : i32
      %mul3A_520 = arith.muli %add3A_508, %mul3A_519 : i32
      %add3A_521 = arith.constant 0 : i32
      %add3A_522 = arith.addi %mul3A_520, %add3A_521 : i32
      %get3A_523 = arith.index_cast %add3A_522 : i32 to index
      %get3A_524 = tpu.vector_load %arg13[%get3A_523] {strides = array<i32>} : memref<6464xi32, #tpu.memory_space<vmem>>, vector<16xi32>,
      %add3A_525 = arith.constant 0 : i32
      %add3A_526 = vector.broadcast %add3A_525 : i32 to vector<16xi32>
      %add3A_527 = arith.addi %iota3A, %add3A_526 : vector<16xi32>
      tpu.vector_store_idx %arg11[%add3A_527, %get3A_524], %broadcast_in_dim3A_3 : memref<50x128xf32, #tpu.memory_space<vmem>>[vector<16xi32>, vector<16xi32>], vector<16xf32>,
      %swap3A_528 = arith.constant 384 : index
      %swap3A_529 = tpu.vector_load %arg14[%swap3A_528] {strides = array<i32>} : memref<512xi32, #tpu.memory_space<vmem>>, vector<16xi32>,
      tpu.vector_store %arg14[%swap3A_528], %get3A_524 {strides = array<i32>} : memref<512xi32, #tpu.memory_space<vmem>>, vector<16xi32>,
      %mul3A_530 = arith.constant 50 : i32
      %mul3A_531 = arith.muli %add3A_508, %mul3A_530 : i32
      %add3A_532 = arith.constant 16 : i32
      %add3A_533 = arith.addi %mul3A_531, %add3A_532 : i32
      %get3A_534 = arith.index_cast %add3A_533 : i32 to index
      %get3A_535 = tpu.vector_load %arg13[%get3A_534] {strides = array<i32>} : memref<6464xi32, #tpu.memory_space<vmem>>, vector<16xi32>,
      %add3A_536 = arith.constant 16 : i32
      %add3A_537 = vector.broadcast %add3A_536 : i32 to vector<16xi32>
      %add3A_538 = arith.addi %iota3A, %add3A_537 : vector<16xi32>
      tpu.vector_store_idx %arg11[%add3A_538, %get3A_535], %broadcast_in_dim3A_3 : memref<50x128xf32, #tpu.memory_space<vmem>>[vector<16xi32>, vector<16xi32>], vector<16xf32>,
      %swap3A_539 = arith.constant 400 : index
      %swap3A_540 = tpu.vector_load %arg14[%swap3A_539] {strides = array<i32>} : memref<512xi32, #tpu.memory_space<vmem>>, vector<16xi32>,
      tpu.vector_store %arg14[%swap3A_539], %get3A_535 {strides = array<i32>} : memref<512xi32, #tpu.memory_space<vmem>>, vector<16xi32>,
      %mul3A_541 = arith.constant 50 : i32
      %mul3A_542 = arith.muli %add3A_508, %mul3A_541 : i32
      %add3A_543 = arith.constant 32 : i32
      %add3A_544 = arith.addi %mul3A_542, %add3A_543 : i32
      %get3A_545 = arith.index_cast %add3A_544 : i32 to index
      %get3A_546 = tpu.vector_load %arg13[%get3A_545] {strides = array<i32>} : memref<6464xi32, #tpu.memory_space<vmem>>, vector<16xi32>,
      %add3A_547 = arith.constant 32 : i32
      %add3A_548 = vector.broadcast %add3A_547 : i32 to vector<16xi32>
      %add3A_549 = arith.addi %iota3A, %add3A_548 : vector<16xi32>
      tpu.vector_store_idx %arg11[%add3A_549, %get3A_546], %broadcast_in_dim3A_3 : memref<50x128xf32, #tpu.memory_space<vmem>>[vector<16xi32>, vector<16xi32>], vector<16xf32>,
      %swap3A_550 = arith.constant 416 : index
      %swap3A_551 = tpu.vector_load %arg14[%swap3A_550] {strides = array<i32>} : memref<512xi32, #tpu.memory_space<vmem>>, vector<16xi32>,
      tpu.vector_store %arg14[%swap3A_550], %get3A_546 {strides = array<i32>} : memref<512xi32, #tpu.memory_space<vmem>>, vector<16xi32>,
      %mul3A_552 = arith.constant 50 : i32
      %mul3A_553 = arith.muli %add3A_508, %mul3A_552 : i32
      %add3A_554 = arith.constant 48 : i32
      %add3A_555 = arith.addi %mul3A_553, %add3A_554 : i32
      %get3A_556 = arith.index_cast %add3A_555 : i32 to index
      %get3A_557 = tpu.vector_load %arg13[%get3A_556] {strides = array<i32>} : memref<6464xi32, #tpu.memory_space<vmem>>, vector<16xi32>,
      %add3A_558 = arith.constant 48 : i32
      %add3A_559 = vector.broadcast %add3A_558 : i32 to vector<16xi32>
      %add3A_560 = arith.addi %iota3A, %add3A_559 : vector<16xi32>
      tpu.vector_store_idx %arg11[%add3A_560, %get3A_557], %broadcast_in_dim3A_3 masked %lt3A_7 : memref<50x128xf32, #tpu.memory_space<vmem>>[vector<16xi32>, vector<16xi32>], vector<16xf32>, vector<16xi1>
      %swap3A_561 = arith.constant 432 : index
      %swap3A_562 = tpu.vector_load %arg14[%swap3A_561] {strides = array<i32>} : memref<512xi32, #tpu.memory_space<vmem>>, vector<16xi32>,
      tpu.vector_store %arg14[%swap3A_561], %get3A_557 {strides = array<i32>} : memref<512xi32, #tpu.memory_space<vmem>>, vector<16xi32>,
      %add3A_563 = arith.addi %mul3A_2, %add3A_508 : i32
      %dma_start3A_564 = arith.constant 0 : i32
      %dma_start3A_565 = arith.constant 0 : i32
      %dma_start3A_566 = tpu.memref_slice %arg4[%add3A_563, %dma_start3A_564, %dma_start3A_565] : memref<4096x50x128xf32, #tpu.memory_space<hbm>> -> memref<1x50x128xf32, #tpu.memory_space<hbm>>
      %dma_start3A_567 = tpu.memref_squeeze %dma_start3A_566 : memref<1x50x128xf32, #tpu.memory_space<hbm>> -> memref<50x128xf32, #tpu.memory_space<hbm>>
      %dma_start3A_568 = arith.constant 0 : i32
      %dma_start3A_569 = arith.constant 0 : i32
      %dma_start3A_570 = tpu.memref_slice %arg4[%add3A_563, %dma_start3A_568, %dma_start3A_569] : memref<4096x50x128xf32, #tpu.memory_space<hbm>> -> memref<1x50x128xf32, #tpu.memory_space<hbm>>
      %dma_start3A_571 = tpu.memref_squeeze %dma_start3A_570 : memref<1x50x128xf32, #tpu.memory_space<hbm>> -> memref<50x128xf32, #tpu.memory_space<hbm>>
      tpu.enqueue_dma source(%arg11 : memref<50x128xf32, #tpu.memory_space<vmem>>) target(%dma_start3A_571 : memref<50x128xf32, #tpu.memory_space<hbm>>) target_semaphore(%arg23 : memref<!tpu.dma_semaphore, #tpu.memory_space<semaphore_mem>>)
      %mul3A_572 = arith.constant 8 : i32
      %mul3A_573 = arith.muli %mul3A_572, %scan3A_107 : i32
      %add3A_574 = arith.constant 7 : i32
      %add3A_575 = arith.addi %mul3A_573, %add3A_574 : i32
      %lt3A_576 = arith.constant 8 : i32
      %lt3A_577 = arith.cmpi slt, %add3A_575, %lt3A_576 : i32
      %convert_element_type3A_578 = arith.extui %lt3A_577 : i1 to i32
      %cond3A_579 = arith.constant 0 : i32
      %cond3A_580 = arith.cmpi ne, %convert_element_type3A_578, %cond3A_579 : i32
      scf.if %cond3A_580 {
        %scan3A_639 = arith.constant 0 : i32
        %scan3A_640 = arith.constant 0 : i32
        %scan3A_641 = arith.constant 50 : i32
        %scan3A_642 = arith.addi %scan3A_640, %scan3A_641 : i32
        %scan3A_643 = arith.constant 1 : i32
        scf.for %scan3A_645 = %scan3A_640 to %scan3A_642 step %scan3A_643  : i32 {
          %swap3A_646 = arith.index_cast %scan3A_645 : i32 to index
          %swap3A_647 = arith.constant 0 : index
          %swap3A_648 = tpu.vector_load %arg12[%swap3A_646, %swap3A_647] {strides = array<i32>} : memref<50x128xf32, #tpu.memory_space<vmem>>, vector<16xf32>,
          tpu.vector_store %arg12[%swap3A_646, %swap3A_647], %broadcast_in_dim3A_5 {strides = array<i32>} : memref<50x128xf32, #tpu.memory_space<vmem>>, vector<16xf32>,
          %swap3A_649 = arith.index_cast %scan3A_645 : i32 to index
          %swap3A_650 = arith.constant 16 : index
          %swap3A_651 = tpu.vector_load %arg12[%swap3A_649, %swap3A_650] {strides = array<i32>} : memref<50x128xf32, #tpu.memory_space<vmem>>, vector<16xf32>,
          tpu.vector_store %arg12[%swap3A_649, %swap3A_650], %broadcast_in_dim3A_5 {strides = array<i32>} : memref<50x128xf32, #tpu.memory_space<vmem>>, vector<16xf32>,
          %swap3A_652 = arith.index_cast %scan3A_645 : i32 to index
          %swap3A_653 = arith.constant 32 : index
          %swap3A_654 = tpu.vector_load %arg12[%swap3A_652, %swap3A_653] {strides = array<i32>} : memref<50x128xf32, #tpu.memory_space<vmem>>, vector<16xf32>,
          tpu.vector_store %arg12[%swap3A_652, %swap3A_653], %broadcast_in_dim3A_5 {strides = array<i32>} : memref<50x128xf32, #tpu.memory_space<vmem>>, vector<16xf32>,
          %swap3A_655 = arith.index_cast %scan3A_645 : i32 to index
          %swap3A_656 = arith.constant 48 : index
          %swap3A_657 = tpu.vector_load %arg12[%swap3A_655, %swap3A_656] {strides = array<i32>} : memref<50x128xf32, #tpu.memory_space<vmem>>, vector<16xf32>,
          tpu.vector_store %arg12[%swap3A_655, %swap3A_656], %broadcast_in_dim3A_5 {strides = array<i32>} : memref<50x128xf32, #tpu.memory_space<vmem>>, vector<16xf32>,
          %swap3A_658 = arith.index_cast %scan3A_645 : i32 to index
          %swap3A_659 = arith.constant 64 : index
          %swap3A_660 = tpu.vector_load %arg12[%swap3A_658, %swap3A_659] {strides = array<i32>} : memref<50x128xf32, #tpu.memory_space<vmem>>, vector<16xf32>,
          tpu.vector_store %arg12[%swap3A_658, %swap3A_659], %broadcast_in_dim3A_5 {strides = array<i32>} : memref<50x128xf32, #tpu.memory_space<vmem>>, vector<16xf32>,
          %swap3A_661 = arith.index_cast %scan3A_645 : i32 to index
          %swap3A_662 = arith.constant 80 : index
          %swap3A_663 = tpu.vector_load %arg12[%swap3A_661, %swap3A_662] {strides = array<i32>} : memref<50x128xf32, #tpu.memory_space<vmem>>, vector<16xf32>,
          tpu.vector_store %arg12[%swap3A_661, %swap3A_662], %broadcast_in_dim3A_5 {strides = array<i32>} : memref<50x128xf32, #tpu.memory_space<vmem>>, vector<16xf32>,
          %swap3A_664 = arith.index_cast %scan3A_645 : i32 to index
          %swap3A_665 = arith.constant 96 : index
          %swap3A_666 = tpu.vector_load %arg12[%swap3A_664, %swap3A_665] {strides = array<i32>} : memref<50x128xf32, #tpu.memory_space<vmem>>, vector<16xf32>,
          tpu.vector_store %arg12[%swap3A_664, %swap3A_665], %broadcast_in_dim3A_5 {strides = array<i32>} : memref<50x128xf32, #tpu.memory_space<vmem>>, vector<16xf32>,
          %swap3A_667 = arith.index_cast %scan3A_645 : i32 to index
          %swap3A_668 = arith.constant 112 : index
          %swap3A_669 = tpu.vector_load %arg12[%swap3A_667, %swap3A_668] {strides = array<i32>} : memref<50x128xf32, #tpu.memory_space<vmem>>, vector<16xf32>,
          tpu.vector_store %arg12[%swap3A_667, %swap3A_668], %broadcast_in_dim3A_5 {strides = array<i32>} : memref<50x128xf32, #tpu.memory_space<vmem>>, vector<16xf32>,
        }
        %scan3A_644 = arith.constant 50 : i32
      } else {
      }
      %ge3A_581 = arith.constant 8 : i32
      %ge3A_582 = arith.cmpi sge, %add3A_575, %ge3A_581 : i32
      %convert_element_type3A_583 = arith.extui %ge3A_582 : i1 to i32
      %cond3A_584 = arith.constant 0 : i32
      %cond3A_585 = arith.cmpi ne, %convert_element_type3A_583, %cond3A_584 : i32
      scf.if %cond3A_585 {
        %sub3A = arith.constant 8 : i32
        %sub3A_639 = arith.subi %add3A_575, %sub3A : i32
        %add3A_640 = arith.addi %mul3A_2, %sub3A_639 : i32
        %dma_wait3A_641 = arith.constant 0 : i32
        %dma_wait3A_642 = arith.constant 0 : i32
        %dma_wait3A_643 = tpu.memref_slice %arg4[%add3A_640, %dma_wait3A_641, %dma_wait3A_642] : memref<4096x50x128xf32, #tpu.memory_space<hbm>> -> memref<1x50x128xf32, #tpu.memory_space<hbm>>
        %dma_wait3A_644 = tpu.memref_squeeze %dma_wait3A_643 : memref<1x50x128xf32, #tpu.memory_space<hbm>> -> memref<50x128xf32, #tpu.memory_space<hbm>>
        %dma_wait3A_645 = arith.constant 0 : i32
        %dma_wait3A_646 = arith.constant 0 : i32
        %dma_wait3A_647 = tpu.memref_slice %arg4[%add3A_640, %dma_wait3A_645, %dma_wait3A_646] : memref<4096x50x128xf32, #tpu.memory_space<hbm>> -> memref<1x50x128xf32, #tpu.memory_space<hbm>>
        %dma_wait3A_648 = tpu.memref_squeeze %dma_wait3A_647 : memref<1x50x128xf32, #tpu.memory_space<hbm>> -> memref<50x128xf32, #tpu.memory_space<hbm>>
        tpu.wait_dma2 semaphore(%arg24 : memref<!tpu.dma_semaphore, #tpu.memory_space<semaphore_mem>>) src(%arg12 : memref<50x128xf32, #tpu.memory_space<vmem>>) dst(%dma_wait3A_648 : memref<50x128xf32, #tpu.memory_space<hbm>>)
        %add3A_649 = arith.constant 0 : i32
        %add3A_650 = vector.broadcast %add3A_649 : i32 to vector<16xi32>
        %add3A_651 = arith.addi %iota3A, %add3A_650 : vector<16xi32>
        %get3A_652 = arith.constant 448 : index
        %get3A_653 = tpu.vector_load %arg14[%get3A_652] {strides = array<i32>} : memref<512xi32, #tpu.memory_space<vmem>>, vector<16xi32>,
        tpu.vector_store_idx %arg12[%add3A_651, %get3A_653], %broadcast_in_dim3A_5 : memref<50x128xf32, #tpu.memory_space<vmem>>[vector<16xi32>, vector<16xi32>], vector<16xf32>,
        %add3A_654 = arith.constant 16 : i32
        %add3A_655 = vector.broadcast %add3A_654 : i32 to vector<16xi32>
        %add3A_656 = arith.addi %iota3A, %add3A_655 : vector<16xi32>
        %get3A_657 = arith.constant 464 : index
        %get3A_658 = tpu.vector_load %arg14[%get3A_657] {strides = array<i32>} : memref<512xi32, #tpu.memory_space<vmem>>, vector<16xi32>,
        tpu.vector_store_idx %arg12[%add3A_656, %get3A_658], %broadcast_in_dim3A_5 : memref<50x128xf32, #tpu.memory_space<vmem>>[vector<16xi32>, vector<16xi32>], vector<16xf32>,
        %add3A_659 = arith.constant 32 : i32
        %add3A_660 = vector.broadcast %add3A_659 : i32 to vector<16xi32>
        %add3A_661 = arith.addi %iota3A, %add3A_660 : vector<16xi32>
        %get3A_662 = arith.constant 480 : index
        %get3A_663 = tpu.vector_load %arg14[%get3A_662] {strides = array<i32>} : memref<512xi32, #tpu.memory_space<vmem>>, vector<16xi32>,
        tpu.vector_store_idx %arg12[%add3A_661, %get3A_663], %broadcast_in_dim3A_5 : memref<50x128xf32, #tpu.memory_space<vmem>>[vector<16xi32>, vector<16xi32>], vector<16xf32>,
        %add3A_664 = arith.constant 48 : i32
        %add3A_665 = vector.broadcast %add3A_664 : i32 to vector<16xi32>
        %add3A_666 = arith.addi %iota3A, %add3A_665 : vector<16xi32>
        %get3A_667 = arith.constant 496 : index
        %get3A_668 = tpu.vector_load %arg14[%get3A_667] {strides = array<i32>} : memref<512xi32, #tpu.memory_space<vmem>>, vector<16xi32>,
        tpu.vector_store_idx %arg12[%add3A_666, %get3A_668], %broadcast_in_dim3A_5 masked %lt3A_7 : memref<50x128xf32, #tpu.memory_space<vmem>>[vector<16xi32>, vector<16xi32>], vector<16xf32>, vector<16xi1>
      } else {
      }
      %mul3A_586 = arith.constant 50 : i32
      %mul3A_587 = arith.muli %add3A_575, %mul3A_586 : i32
      %add3A_588 = arith.constant 0 : i32
      %add3A_589 = arith.addi %mul3A_587, %add3A_588 : i32
      %get3A_590 = arith.index_cast %add3A_589 : i32 to index
      %get3A_591 = tpu.vector_load %arg13[%get3A_590] {strides = array<i32>} : memref<6464xi32, #tpu.memory_space<vmem>>, vector<16xi32>,
      %add3A_592 = arith.constant 0 : i32
      %add3A_593 = vector.broadcast %add3A_592 : i32 to vector<16xi32>
      %add3A_594 = arith.addi %iota3A, %add3A_593 : vector<16xi32>
      tpu.vector_store_idx %arg12[%add3A_594, %get3A_591], %broadcast_in_dim3A_3 : memref<50x128xf32, #tpu.memory_space<vmem>>[vector<16xi32>, vector<16xi32>], vector<16xf32>,
      %swap3A_595 = arith.constant 448 : index
      %swap3A_596 = tpu.vector_load %arg14[%swap3A_595] {strides = array<i32>} : memref<512xi32, #tpu.memory_space<vmem>>, vector<16xi32>,
      tpu.vector_store %arg14[%swap3A_595], %get3A_591 {strides = array<i32>} : memref<512xi32, #tpu.memory_space<vmem>>, vector<16xi32>,
      %mul3A_597 = arith.constant 50 : i32
      %mul3A_598 = arith.muli %add3A_575, %mul3A_597 : i32
      %add3A_599 = arith.constant 16 : i32
      %add3A_600 = arith.addi %mul3A_598, %add3A_599 : i32
      %get3A_601 = arith.index_cast %add3A_600 : i32 to index
      %get3A_602 = tpu.vector_load %arg13[%get3A_601] {strides = array<i32>} : memref<6464xi32, #tpu.memory_space<vmem>>, vector<16xi32>,
      %add3A_603 = arith.constant 16 : i32
      %add3A_604 = vector.broadcast %add3A_603 : i32 to vector<16xi32>
      %add3A_605 = arith.addi %iota3A, %add3A_604 : vector<16xi32>
      tpu.vector_store_idx %arg12[%add3A_605, %get3A_602], %broadcast_in_dim3A_3 : memref<50x128xf32, #tpu.memory_space<vmem>>[vector<16xi32>, vector<16xi32>], vector<16xf32>,
      %swap3A_606 = arith.constant 464 : index
      %swap3A_607 = tpu.vector_load %arg14[%swap3A_606] {strides = array<i32>} : memref<512xi32, #tpu.memory_space<vmem>>, vector<16xi32>,
      tpu.vector_store %arg14[%swap3A_606], %get3A_602 {strides = array<i32>} : memref<512xi32, #tpu.memory_space<vmem>>, vector<16xi32>,
      %mul3A_608 = arith.constant 50 : i32
      %mul3A_609 = arith.muli %add3A_575, %mul3A_608 : i32
      %add3A_610 = arith.constant 32 : i32
      %add3A_611 = arith.addi %mul3A_609, %add3A_610 : i32
      %get3A_612 = arith.index_cast %add3A_611 : i32 to index
      %get3A_613 = tpu.vector_load %arg13[%get3A_612] {strides = array<i32>} : memref<6464xi32, #tpu.memory_space<vmem>>, vector<16xi32>,
      %add3A_614 = arith.constant 32 : i32
      %add3A_615 = vector.broadcast %add3A_614 : i32 to vector<16xi32>
      %add3A_616 = arith.addi %iota3A, %add3A_615 : vector<16xi32>
      tpu.vector_store_idx %arg12[%add3A_616, %get3A_613], %broadcast_in_dim3A_3 : memref<50x128xf32, #tpu.memory_space<vmem>>[vector<16xi32>, vector<16xi32>], vector<16xf32>,
      %swap3A_617 = arith.constant 480 : index
      %swap3A_618 = tpu.vector_load %arg14[%swap3A_617] {strides = array<i32>} : memref<512xi32, #tpu.memory_space<vmem>>, vector<16xi32>,
      tpu.vector_store %arg14[%swap3A_617], %get3A_613 {strides = array<i32>} : memref<512xi32, #tpu.memory_space<vmem>>, vector<16xi32>,
      %mul3A_619 = arith.constant 50 : i32
      %mul3A_620 = arith.muli %add3A_575, %mul3A_619 : i32
      %add3A_621 = arith.constant 48 : i32
      %add3A_622 = arith.addi %mul3A_620, %add3A_621 : i32
      %get3A_623 = arith.index_cast %add3A_622 : i32 to index
      %get3A_624 = tpu.vector_load %arg13[%get3A_623] {strides = array<i32>} : memref<6464xi32, #tpu.memory_space<vmem>>, vector<16xi32>,
      %add3A_625 = arith.constant 48 : i32
      %add3A_626 = vector.broadcast %add3A_625 : i32 to vector<16xi32>
      %add3A_627 = arith.addi %iota3A, %add3A_626 : vector<16xi32>
      tpu.vector_store_idx %arg12[%add3A_627, %get3A_624], %broadcast_in_dim3A_3 masked %lt3A_7 : memref<50x128xf32, #tpu.memory_space<vmem>>[vector<16xi32>, vector<16xi32>], vector<16xf32>, vector<16xi1>
      %swap3A_628 = arith.constant 496 : index
      %swap3A_629 = tpu.vector_load %arg14[%swap3A_628] {strides = array<i32>} : memref<512xi32, #tpu.memory_space<vmem>>, vector<16xi32>,
      tpu.vector_store %arg14[%swap3A_628], %get3A_624 {strides = array<i32>} : memref<512xi32, #tpu.memory_space<vmem>>, vector<16xi32>,
      %add3A_630 = arith.addi %mul3A_2, %add3A_575 : i32
      %dma_start3A_631 = arith.constant 0 : i32
      %dma_start3A_632 = arith.constant 0 : i32
      %dma_start3A_633 = tpu.memref_slice %arg4[%add3A_630, %dma_start3A_631, %dma_start3A_632] : memref<4096x50x128xf32, #tpu.memory_space<hbm>> -> memref<1x50x128xf32, #tpu.memory_space<hbm>>
      %dma_start3A_634 = tpu.memref_squeeze %dma_start3A_633 : memref<1x50x128xf32, #tpu.memory_space<hbm>> -> memref<50x128xf32, #tpu.memory_space<hbm>>
      %dma_start3A_635 = arith.constant 0 : i32
      %dma_start3A_636 = arith.constant 0 : i32
      %dma_start3A_637 = tpu.memref_slice %arg4[%add3A_630, %dma_start3A_635, %dma_start3A_636] : memref<4096x50x128xf32, #tpu.memory_space<hbm>> -> memref<1x50x128xf32, #tpu.memory_space<hbm>>
      %dma_start3A_638 = tpu.memref_squeeze %dma_start3A_637 : memref<1x50x128xf32, #tpu.memory_space<hbm>> -> memref<50x128xf32, #tpu.memory_space<hbm>>
      tpu.enqueue_dma source(%arg12 : memref<50x128xf32, #tpu.memory_space<vmem>>) target(%dma_start3A_638 : memref<50x128xf32, #tpu.memory_space<hbm>>) target_semaphore(%arg24 : memref<!tpu.dma_semaphore, #tpu.memory_space<semaphore_mem>>)
    }
    %scan3A_26 = arith.constant 16 : i32
    %add3A_27 = arith.constant 120 : i32
    %add3A_28 = arith.addi %mul3A_2, %add3A_27 : i32
    %dma_wait3A_29 = arith.constant 0 : i32
    %dma_wait3A_30 = arith.constant 0 : i32
    %dma_wait3A_31 = tpu.memref_slice %arg4[%add3A_28, %dma_wait3A_29, %dma_wait3A_30] : memref<4096x50x128xf32, #tpu.memory_space<hbm>> -> memref<1x50x128xf32, #tpu.memory_space<hbm>>
    %dma_wait3A_32 = tpu.memref_squeeze %dma_wait3A_31 : memref<1x50x128xf32, #tpu.memory_space<hbm>> -> memref<50x128xf32, #tpu.memory_space<hbm>>
    %dma_wait3A_33 = arith.constant 0 : i32
    %dma_wait3A_34 = arith.constant 0 : i32
    %dma_wait3A_35 = tpu.memref_slice %arg4[%add3A_28, %dma_wait3A_33, %dma_wait3A_34] : memref<4096x50x128xf32, #tpu.memory_space<hbm>> -> memref<1x50x128xf32, #tpu.memory_space<hbm>>
    %dma_wait3A_36 = tpu.memref_squeeze %dma_wait3A_35 : memref<1x50x128xf32, #tpu.memory_space<hbm>> -> memref<50x128xf32, #tpu.memory_space<hbm>>
    tpu.wait_dma2 semaphore(%arg17 : memref<!tpu.dma_semaphore, #tpu.memory_space<semaphore_mem>>) src(%arg5 : memref<50x128xf32, #tpu.memory_space<vmem>>) dst(%dma_wait3A_36 : memref<50x128xf32, #tpu.memory_space<hbm>>)
    %add3A_37 = arith.constant 121 : i32
    %add3A_38 = arith.addi %mul3A_2, %add3A_37 : i32
    %dma_wait3A_39 = arith.constant 0 : i32
    %dma_wait3A_40 = arith.constant 0 : i32
    %dma_wait3A_41 = tpu.memref_slice %arg4[%add3A_38, %dma_wait3A_39, %dma_wait3A_40] : memref<4096x50x128xf32, #tpu.memory_space<hbm>> -> memref<1x50x128xf32, #tpu.memory_space<hbm>>
    %dma_wait3A_42 = tpu.memref_squeeze %dma_wait3A_41 : memref<1x50x128xf32, #tpu.memory_space<hbm>> -> memref<50x128xf32, #tpu.memory_space<hbm>>
    %dma_wait3A_43 = arith.constant 0 : i32
    %dma_wait3A_44 = arith.constant 0 : i32
    %dma_wait3A_45 = tpu.memref_slice %arg4[%add3A_38, %dma_wait3A_43, %dma_wait3A_44] : memref<4096x50x128xf32, #tpu.memory_space<hbm>> -> memref<1x50x128xf32, #tpu.memory_space<hbm>>
    %dma_wait3A_46 = tpu.memref_squeeze %dma_wait3A_45 : memref<1x50x128xf32, #tpu.memory_space<hbm>> -> memref<50x128xf32, #tpu.memory_space<hbm>>
    tpu.wait_dma2 semaphore(%arg18 : memref<!tpu.dma_semaphore, #tpu.memory_space<semaphore_mem>>) src(%arg6 : memref<50x128xf32, #tpu.memory_space<vmem>>) dst(%dma_wait3A_46 : memref<50x128xf32, #tpu.memory_space<hbm>>)
    %add3A_47 = arith.constant 122 : i32
    %add3A_48 = arith.addi %mul3A_2, %add3A_47 : i32
    %dma_wait3A_49 = arith.constant 0 : i32
    %dma_wait3A_50 = arith.constant 0 : i32
    %dma_wait3A_51 = tpu.memref_slice %arg4[%add3A_48, %dma_wait3A_49, %dma_wait3A_50] : memref<4096x50x128xf32, #tpu.memory_space<hbm>> -> memref<1x50x128xf32, #tpu.memory_space<hbm>>
    %dma_wait3A_52 = tpu.memref_squeeze %dma_wait3A_51 : memref<1x50x128xf32, #tpu.memory_space<hbm>> -> memref<50x128xf32, #tpu.memory_space<hbm>>
    %dma_wait3A_53 = arith.constant 0 : i32
    %dma_wait3A_54 = arith.constant 0 : i32
    %dma_wait3A_55 = tpu.memref_slice %arg4[%add3A_48, %dma_wait3A_53, %dma_wait3A_54] : memref<4096x50x128xf32, #tpu.memory_space<hbm>> -> memref<1x50x128xf32, #tpu.memory_space<hbm>>
    %dma_wait3A_56 = tpu.memref_squeeze %dma_wait3A_55 : memref<1x50x128xf32, #tpu.memory_space<hbm>> -> memref<50x128xf32, #tpu.memory_space<hbm>>
    tpu.wait_dma2 semaphore(%arg19 : memref<!tpu.dma_semaphore, #tpu.memory_space<semaphore_mem>>) src(%arg7 : memref<50x128xf32, #tpu.memory_space<vmem>>) dst(%dma_wait3A_56 : memref<50x128xf32, #tpu.memory_space<hbm>>)
    %add3A_57 = arith.constant 123 : i32
    %add3A_58 = arith.addi %mul3A_2, %add3A_57 : i32
    %dma_wait3A_59 = arith.constant 0 : i32
    %dma_wait3A_60 = arith.constant 0 : i32
    %dma_wait3A_61 = tpu.memref_slice %arg4[%add3A_58, %dma_wait3A_59, %dma_wait3A_60] : memref<4096x50x128xf32, #tpu.memory_space<hbm>> -> memref<1x50x128xf32, #tpu.memory_space<hbm>>
    %dma_wait3A_62 = tpu.memref_squeeze %dma_wait3A_61 : memref<1x50x128xf32, #tpu.memory_space<hbm>> -> memref<50x128xf32, #tpu.memory_space<hbm>>
    %dma_wait3A_63 = arith.constant 0 : i32
    %dma_wait3A_64 = arith.constant 0 : i32
    %dma_wait3A_65 = tpu.memref_slice %arg4[%add3A_58, %dma_wait3A_63, %dma_wait3A_64] : memref<4096x50x128xf32, #tpu.memory_space<hbm>> -> memref<1x50x128xf32, #tpu.memory_space<hbm>>
    %dma_wait3A_66 = tpu.memref_squeeze %dma_wait3A_65 : memref<1x50x128xf32, #tpu.memory_space<hbm>> -> memref<50x128xf32, #tpu.memory_space<hbm>>
    tpu.wait_dma2 semaphore(%arg20 : memref<!tpu.dma_semaphore, #tpu.memory_space<semaphore_mem>>) src(%arg8 : memref<50x128xf32, #tpu.memory_space<vmem>>) dst(%dma_wait3A_66 : memref<50x128xf32, #tpu.memory_space<hbm>>)
    %add3A_67 = arith.constant 124 : i32
    %add3A_68 = arith.addi %mul3A_2, %add3A_67 : i32
    %dma_wait3A_69 = arith.constant 0 : i32
    %dma_wait3A_70 = arith.constant 0 : i32
    %dma_wait3A_71 = tpu.memref_slice %arg4[%add3A_68, %dma_wait3A_69, %dma_wait3A_70] : memref<4096x50x128xf32, #tpu.memory_space<hbm>> -> memref<1x50x128xf32, #tpu.memory_space<hbm>>
    %dma_wait3A_72 = tpu.memref_squeeze %dma_wait3A_71 : memref<1x50x128xf32, #tpu.memory_space<hbm>> -> memref<50x128xf32, #tpu.memory_space<hbm>>
    %dma_wait3A_73 = arith.constant 0 : i32
    %dma_wait3A_74 = arith.constant 0 : i32
    %dma_wait3A_75 = tpu.memref_slice %arg4[%add3A_68, %dma_wait3A_73, %dma_wait3A_74] : memref<4096x50x128xf32, #tpu.memory_space<hbm>> -> memref<1x50x128xf32, #tpu.memory_space<hbm>>
    %dma_wait3A_76 = tpu.memref_squeeze %dma_wait3A_75 : memref<1x50x128xf32, #tpu.memory_space<hbm>> -> memref<50x128xf32, #tpu.memory_space<hbm>>
    tpu.wait_dma2 semaphore(%arg21 : memref<!tpu.dma_semaphore, #tpu.memory_space<semaphore_mem>>) src(%arg9 : memref<50x128xf32, #tpu.memory_space<vmem>>) dst(%dma_wait3A_76 : memref<50x128xf32, #tpu.memory_space<hbm>>)
    %add3A_77 = arith.constant 125 : i32
    %add3A_78 = arith.addi %mul3A_2, %add3A_77 : i32
    %dma_wait3A_79 = arith.constant 0 : i32
    %dma_wait3A_80 = arith.constant 0 : i32
    %dma_wait3A_81 = tpu.memref_slice %arg4[%add3A_78, %dma_wait3A_79, %dma_wait3A_80] : memref<4096x50x128xf32, #tpu.memory_space<hbm>> -> memref<1x50x128xf32, #tpu.memory_space<hbm>>
    %dma_wait3A_82 = tpu.memref_squeeze %dma_wait3A_81 : memref<1x50x128xf32, #tpu.memory_space<hbm>> -> memref<50x128xf32, #tpu.memory_space<hbm>>
    %dma_wait3A_83 = arith.constant 0 : i32
    %dma_wait3A_84 = arith.constant 0 : i32
    %dma_wait3A_85 = tpu.memref_slice %arg4[%add3A_78, %dma_wait3A_83, %dma_wait3A_84] : memref<4096x50x128xf32, #tpu.memory_space<hbm>> -> memref<1x50x128xf32, #tpu.memory_space<hbm>>
    %dma_wait3A_86 = tpu.memref_squeeze %dma_wait3A_85 : memref<1x50x128xf32, #tpu.memory_space<hbm>> -> memref<50x128xf32, #tpu.memory_space<hbm>>
    tpu.wait_dma2 semaphore(%arg22 : memref<!tpu.dma_semaphore, #tpu.memory_space<semaphore_mem>>) src(%arg10 : memref<50x128xf32, #tpu.memory_space<vmem>>) dst(%dma_wait3A_86 : memref<50x128xf32, #tpu.memory_space<hbm>>)
    %add3A_87 = arith.constant 126 : i32
    %add3A_88 = arith.addi %mul3A_2, %add3A_87 : i32
    %dma_wait3A_89 = arith.constant 0 : i32
    %dma_wait3A_90 = arith.constant 0 : i32
    %dma_wait3A_91 = tpu.memref_slice %arg4[%add3A_88, %dma_wait3A_89, %dma_wait3A_90] : memref<4096x50x128xf32, #tpu.memory_space<hbm>> -> memref<1x50x128xf32, #tpu.memory_space<hbm>>
    %dma_wait3A_92 = tpu.memref_squeeze %dma_wait3A_91 : memref<1x50x128xf32, #tpu.memory_space<hbm>> -> memref<50x128xf32, #tpu.memory_space<hbm>>
    %dma_wait3A_93 = arith.constant 0 : i32
    %dma_wait3A_94 = arith.constant 0 : i32
    %dma_wait3A_95 = tpu.memref_slice %arg4[%add3A_88, %dma_wait3A_93, %dma_wait3A_94] : memref<4096x50x128xf32, #tpu.memory_space<hbm>> -> memref<1x50x128xf32, #tpu.memory_space<hbm>>
    %dma_wait3A_96 = tpu.memref_squeeze %dma_wait3A_95 : memref<1x50x128xf32, #tpu.memory_space<hbm>> -> memref<50x128xf32, #tpu.memory_space<hbm>>
    tpu.wait_dma2 semaphore(%arg23 : memref<!tpu.dma_semaphore, #tpu.memory_space<semaphore_mem>>) src(%arg11 : memref<50x128xf32, #tpu.memory_space<vmem>>) dst(%dma_wait3A_96 : memref<50x128xf32, #tpu.memory_space<hbm>>)
    %add3A_97 = arith.constant 127 : i32
    %add3A_98 = arith.addi %mul3A_2, %add3A_97 : i32
    %dma_wait3A_99 = arith.constant 0 : i32
    %dma_wait3A_100 = arith.constant 0 : i32
    %dma_wait3A_101 = tpu.memref_slice %arg4[%add3A_98, %dma_wait3A_99, %dma_wait3A_100] : memref<4096x50x128xf32, #tpu.memory_space<hbm>> -> memref<1x50x128xf32, #tpu.memory_space<hbm>>
    %dma_wait3A_102 = tpu.memref_squeeze %dma_wait3A_101 : memref<1x50x128xf32, #tpu.memory_space<hbm>> -> memref<50x128xf32, #tpu.memory_space<hbm>>
    %dma_wait3A_103 = arith.constant 0 : i32
    %dma_wait3A_104 = arith.constant 0 : i32
    %dma_wait3A_105 = tpu.memref_slice %arg4[%add3A_98, %dma_wait3A_103, %dma_wait3A_104] : memref<4096x50x128xf32, #tpu.memory_space<hbm>> -> memref<1x50x128xf32, #tpu.memory_space<hbm>>
    %dma_wait3A_106 = tpu.memref_squeeze %dma_wait3A_105 : memref<1x50x128xf32, #tpu.memory_space<hbm>> -> memref<50x128xf32, #tpu.memory_space<hbm>>
    tpu.wait_dma2 semaphore(%arg24 : memref<!tpu.dma_semaphore, #tpu.memory_space<semaphore_mem>>) src(%arg12 : memref<50x128xf32, #tpu.memory_space<vmem>>) dst(%dma_wait3A_106 : memref<50x128xf32, #tpu.memory_space<hbm>>)
    return
  }
}

</mosaic_0001>

<sc_bundles>
// kernel: kernel.3.cloned.1.call-start
scs
__scs_entry_jumppad:
0x0: {  	(pc) =	sbr.rel $0x88, $3  }
0x1: {  	(tag) =	ssettag $0x0;
	lr =	simm.s32 $0x1  }
0x2: {  	[smem:$0x3F9F] =	sst lr;
	_ =	strace $0xD0000000  }
0x3: {  	_ = 	snop  }
0x4: {  	_ = 	snop  }
0x5: {  	_ = 	snop  }
0x6: {  	_ = 	snop  }
0x7: {  	_ = 	snop  }
__scs_overlays_trampoline_lowered:
0x8: {  	[smem:$0x3FAE] =	sst s0  }
0x9: {  	[smem:$0x3FAF] =	sst s1  }
0xa: {  	[smem:$0x3FB0] =	sst s2  }
0xb: {  	[smem:$0x3FB1] =	sst s3  }
0xc: {  	[smem:$0x3FB2] =	sst s4  }
0xd: {  	[smem:$0x3FB3] =	sst s5  }
0xe: {  	[smem:$0x3FB4] =	sst s6  }
0xf: {  	[smem:$0x3FB5] =	sst s7  }
0x10: {  	[smem:$0x3FB6] =	sst s8  }
0x11: {  	[smem:$0x3FB7] =	sst s9;
	s0 =	simm.s32 @!p0 $0x0  }
0x12: {  	s1 =	sld [smem:$0x3F9D];
	s0 =	simm.s32 @p0 $0x1  }
0x13: {  	[smem:$0x3FB8] =	sst s0;
	s0 =	simm.s32 @!p1 $0x0  }
0x14: {  	s2 =	sld [smem:$0x3F9C];
	s0 =	simm.s32 @p1 $0x1  }
0x15: {  	[smem:$0x3FB9] =	sst s0;
	s0 =	simm.s32 @!p2 $0x0  }
0x16: {  	s3 =	sld [smem:$0x3FDB];
	s0 =	simm.s32 @p2 $0x1  }
0x17: {  	s4 =	simm.s32 $0x1BF5;
	[smem:$0x3FBB] =	sst s0  }
0x18: {  	s0 =	sld [smem:$0x3F9E];
	_ =	swait.ge [sflag:s4], $0x0  }
0x19: {  	s7 =	sld [smem:$0x3F9F]  }
0x1a: {  	s8 =	sadd.s32 $0xFFFFE003, lr  }
0x1b: {  	s9 =	sadd.s32 $0xFFFFFEF7, lr;
	s5 =	simm.s32 $0xFFFFFFFF;
	p2 =	slt.u32 s8, $0xFFFFF086  }
0x1c: {  	p1 =	slt.u32 s9, $0xF7A;
	s5 =	simm.s32 @!p2 $0x0  }
0x1d: {  	s5 =	simm.s32 @p1 $0x1;
	p0 =	seq.s32 s7, s2  }
0x1e: {  	s7 =	smul.u32 @!p0 $0xF7A, s2;
	p2 =	seq.s32 @!p0 s5, $0x0  }
0x1f: {  	s9 =	smul.u32 $0xF7A, s1;
	s8 =	simm.s32 @!p0 $0x1BF5;
	p2 =	por !p2, p0  }
0x20: {  	[sflag:s8] =	ssyncset.s32 @!p0 $0xFFFFF086;
	s6 =	sadd.s32 @!p0 s3, s7;
	s7 =	simm.s32 @!p0 $0x108  }
0x21: {  	s3 =	sadd.s32 s3, s9;
	s6 =	sadd.s32 @!p0 $0x88, s6;
	s7 =	simm.s32 @p2 $0x1082  }
0x22: {  	[simem:s7], [sflag:s8] =	dma.local @!p0 [hbm:s6], $0xF7A  }
0x23: {  	s9 =	sor.u32 $0xD0000000, s2;
	s6 =	simm.s32 $0x108;
	_ =	swait.ge @!p0 [sflag:s8], $0x0  }
0x24: {  	s3 =	sadd.s32 $0x88, s3;
	s6 =	simm.s32 @!p1 $0x1082;
	[sflag:s4] =	ssyncset.s32 $0xFFFFF086  }
0x25: {  	[simem:s6], [sflag:s4] =	dma.local [hbm:s3], $0xF7A  }
0x26: {  	[smem:$0x3F9F] =	sst s1;
	(tag) =	ssettag s2;
	_ =	strace s9  }
0x27: {  	s1 =	sld [smem:$0x3FAF]  }
0x28: {  	s2 =	sld [smem:$0x3FB0]  }
0x29: {  	s4 =	sld [smem:$0x3FB2]  }
0x2a: {  	p0 =	seq.s32 s5, $0x0;
	s5 =	sld [smem:$0x3FB3]  }
0x2b: {  	s6 =	sld [smem:$0x3FB4]  }
0x2c: {  	s7 =	sld [smem:$0x3FB5]  }
0x2d: {  	s3 =	simm.s32 $0x108;
	s8 =	sld [smem:$0x3FB6]  }
0x2e: {  	s3 =	simm.s32 @!p0 $0x1082;
	s9 =	sld [smem:$0x3FB7]  }
0x2f: {  	lr =	sadd.s32 s0, s3;
	s0 =	sld [smem:$0x3FAE]  }
0x30: {  	s3 =	sld [smem:$0x3FB1]  }
0x31: {  	[smem:$0x3FBA] =	sst s10  }
0x32: {  	s10 =	sld [smem:$0x3FB8];
	_ =	sdelay $0x3  }
0x33: {  	p0 =	seq.s32 s10, $0x1;
	s10 =	sld [smem:$0x3FBA];
	_ =	sdelay $0x3  }
0x34: {  	[smem:$0x3FBA] =	sst s10  }
0x35: {  	s10 =	sld [smem:$0x3FB9];
	_ =	sdelay $0x3  }
0x36: {  	p1 =	seq.s32 s10, $0x1;
	s10 =	sld [smem:$0x3FBA];
	_ =	sdelay $0x3  }
0x37: {  	[smem:$0x3FBA] =	sst s10  }
0x38: {  	s10 =	sld [smem:$0x3FBB]  }
0x39: {  	_ = 	snop;
	(pc) =	sbr.ind lr, $3  }
0x3a: {  	_ = 	snop  }
0x3b: {  	_ = 	snop  }
0x3c: {  	p2 =	seq.s32 s10, $0x1;
	s10 =	sld [smem:$0x3FBA]  }
0x3d: {  	_ =	shalt  }
0x3e: {  	_ =	shalt  }
0x3f: {  	_ =	shalt  }
0x40: {  	_ =	shalt  }
0x41: {  	_ =	shalt  }
0x42: {  	_ =	shalt  }
0x43: {  	_ =	shalt  }
0x44: {  	_ =	shalt  }
0x45: {  	_ =	shalt  }
0x46: {  	_ =	shalt  }
0x47: {  	_ =	shalt  }
0x48: {  	_ =	shalt  }
0x49: {  	_ =	shalt  }
0x4a: {  	_ =	shalt  }
0x4b: {  	_ =	shalt  }
0x4c: {  	_ =	shalt  }
0x4d: {  	_ =	shalt  }
0x4e: {  	_ =	shalt  }
0x4f: {  	_ =	shalt  }
0x50: {  	_ =	shalt  }
0x51: {  	_ =	shalt  }
0x52: {  	_ =	shalt  }
0x53: {  	_ =	shalt  }
0x54: {  	_ =	shalt  }
0x55: {  	_ =	shalt  }
0x56: {  	_ =	shalt  }
0x57: {  	_ =	shalt  }
0x58: {  	_ =	shalt  }
0x59: {  	_ =	shalt  }
0x5a: {  	_ =	shalt  }
0x5b: {  	_ =	shalt  }
0x5c: {  	_ =	shalt  }
0x5d: {  	_ =	shalt  }
0x5e: {  	_ =	shalt  }
0x5f: {  	_ =	shalt  }
0x60: {  	_ =	shalt  }
0x61: {  	_ =	shalt  }
0x62: {  	_ =	shalt  }
0x63: {  	_ =	shalt  }
0x64: {  	_ =	shalt  }
0x65: {  	_ =	shalt  }
0x66: {  	_ =	shalt  }
0x67: {  	_ =	shalt  }
0x68: {  	_ =	shalt  }
0x69: {  	_ =	shalt  }
0x6a: {  	_ =	shalt  }
0x6b: {  	_ =	shalt  }
0x6c: {  	_ =	shalt  }
0x6d: {  	_ =	shalt  }
0x6e: {  	_ =	shalt  }
0x6f: {  	_ =	shalt  }
0x70: {  	_ =	shalt  }
0x71: {  	_ =	shalt  }
0x72: {  	_ =	shalt  }
0x73: {  	_ =	shalt  }
0x74: {  	_ =	shalt  }
0x75: {  	_ =	shalt  }
0x76: {  	_ =	shalt  }
0x77: {  	_ =	shalt  }
0x78: {  	_ =	shalt  }
0x79: {  	_ =	shalt  }
0x7a: {  	_ =	shalt  }
0x7b: {  	_ =	shalt  }
0x7c: {  	_ =	shalt  }
0x7d: {  	_ =	shalt  }
0x7e: {  	_ =	shalt  }
0x7f: {  	_ =	shalt  }
0x80: {  	_ =	shalt  }
0x81: {  	_ =	shalt  }
0x82: {  	_ =	shalt  }
0x83: {  	_ =	shalt  }
0x84: {  	_ =	shalt  }
0x85: {  	_ =	shalt  }
0x86: {  	_ =	shalt  }
0x87: {  	_ =	shalt  }
.Lfunc_end0:
.L_simem_size_0:
called_computation_lowered:
.L_overlay_start_0:
0x88: {  	s2 =	sld [smem:$0x3FD9]  }
0x89: {  	s3 =	sld [smem:$0x3FFE];
	_ =	sdelay $0x1  }
0x8a: {  	s1 =	srdreg.scid  }
0x8b: {  	s0 =	sand.u32 $0x1, s1  }
0x8c: {  	s17 =	sshll.u32 s0, $0xA;
	s2 =	sadd.s32 s3, s2  }
0x8d: {  	s2 =	sadd.s32 s2, s17  }
0x8e: {  	[smem:$0x3FC6] =	sst s2  }
0x8f: {  	_ = 	snop  }
0x90: {  	s2 =	sld [smem:$0x3FD0];
	(tm) =	ssettm $0x1  }
0x91: {  	s18 =	sld [smem:$0x3FFB];
	_ =	sdelay $0x3  }
0x92: {  	_ =	strace s18  }
0x93: {  	s3 =	sld [smem:$0x3FFC];
	_ =	sdelay $0x3  }
0x94: {  	_ =	strace s3  }
0x95: {  	s3 =	sld [smem:$0x3FFD];
	_ =	sdelay $0x3  }
0x96: {  	_ =	strace s3  }
0x97: {  	_ =	strace $0x8FFFFFFF  }
0x98: {  	s19 =	sld [smem:$0x3FDB];
	_ =	sdelay $0x1  }
0x99: {  	s4 =	simm.s32 $_scs_section_size  }
0x9a: {  	s5 =	simm.s32 $_size__tile_overlayer_lowered;
	s6 =	simm.s32 $_tile_overlayer_lowered  }
0x9b: {  	s22 =	simm.s32 $0x1BFF;
	s21 =	sshll.u32 s6, $0x1;
	s3 =	sadd.s32 s4, s19  }
0x9c: {  	s7 =	simm.s32 $0x0;
	s20 =	sshll.u32 s5, $0x1;
	s5 =	sadd.s32 s21, s3  }
0x9d: {  	[timem:s7], [sflag:s22] =	dma.local [hbm:s5], s20  }
0x9e: {  	_ =	swait.ge [sflag:s22], s20  }
0x9f: {  	s4 =	ssub.s32 $0x0, s20;
	[sflag:s22] =	ssyncset.done $0x0  }
0xa0: {  	[sflag:s22] =	ssyncadd.s32 s4;
	_ =	sdelay $0x1  }
0xa1: {  	s23 =	simm.s32 $0x1B8B  }
0xa2: {  	_ =	swait.ge [sflag:s23], $0x1  }
0xa3: {  	[sflag:s23] =	ssyncset.done $0x0  }
0xa4: {  	s25 =	simm.s32 $0x1B8E;
	s24 =	sld [smem:$0x3FFE];
	[sflag:s23] =	ssyncadd.s32 $0xFFFFFFFF  }
0xa5: {  	s26 =	simm.s32 $execute0_lowered;
	[smem:$0x3FD2] =	sst s25  }
0xa6: {  	s5 =	sshll.u32 s26, $0x1;
	_ =	strace $0x80000046;
	[dreg:$0x1] =	wrdreg $0xFFFFFFFF  }
0xa7: {  	s28 =	simm.s32 $_size_execute0_lowered;
	s3 =	sadd.s32 s3, s5;
	[dreg:$0x0] =	wrdreg $0x0  }
0xa8: {  	s5 =	sshll.u32 s28, $0x1;
	[dreg:$0x2] =	wrdreg s3  }
0xa9: {  	[dreg:$0x3] =	wrdreg s5  }
0xaa: {  	[dreg:$0x4] =	wrdreg $0xC0  }
0xab: {  	_ =	task [dreg:s7], $0x5FFFF  }
0xac: {  	[dreg:$0x1] =	wrdreg $0xFFFFFFFF  }
0xad: {  	[dreg:$0x0] =	wrdreg $0x60  }
0xae: {  	[dreg:$0x2] =	wrdreg s2  }
0xaf: {  	[dreg:$0x3] =	wrdreg s24  }
0xb0: {  	[dreg:$0x4] =	wrdreg $0x9  }
0xb1: {  	_ =	task.clear_ibuf [dreg:s7], $0x5FFFF;
	_ =	strace $0x90000046  }
0xb2: {  	s29 =	simm.s32 $0x9;
	_ =	strace $0x80000048  }
0xb3: {  	_ =	swait.ge [sflag:s29], $0x1  }
0xb4: {  	[sflag:s29] =	ssyncadd.s32 $0xFFFFFFFF  }
0xb5: {  	_ =	strace $0x90000048  }
0xb6: {  	_ =	sfence  }
0xb7: {  	s30 =	sld [smem:$0x0];
	_ =	sdelay $0x2  }
0xb8: {  	s31 =	sshll.u32 s1, $0xD;
	s1 =	sshrl.u32 s1, $0x2  }
0xb9: {  	s3 =	sand.u32 $0x4000, s31;
	s1 =	sadd.s32 s1, s30  }
0xba: {  	s0 =	sor.u32 s3, s0;
	s1 =	sshll.u32 s1, $0x11  }
0xbb: {  	s0 =	sor.u32 s1, s0  }
0xbc: {  	s0 =	sadd.s32 $0x8F2B, s0  }
0xbd: {  	[sflag:s0] =	ssyncadd.remote.s32 $0x1  }
0xbe: {  	_ =	sfence.sel $0xFFFF  }
0xbf: {  	[dreg:$0x0] =	wrdreg $0xFFFFFFFF;
	(pc) =	sbr.abs _section_cstart, $3  }
0xc0: {  	[dreg:$0x1] =	wrdreg $0xFFFFFFFF  }
0xc1: {  	_ =	task.clear_ibuf [dreg:s7], $0x2FFFF;
	_ =	strace $0x9FFFFFFF  }
0xc2: {  	(tm) =	ssettm $0x7FFFFFFF  }
0xc3: {  	_ =	shalt  }
tec
execute0_lowered:
.L_overlay_start_1:
0x0: {  	(tag) =	ssettag $0x1  }
0x1: {  	s5 =	rddreg [dreg:$0x0]  }
0x2: {  	s3 =	rddreg [dreg:$0x1];
	s2 =	srdreg.scid  }
0x3: {  	s1 =	stileid.u32;
	s0 =	rddreg [dreg:$0x2]  }
0x4: {  	s9 =	simm.s32 $0x1C00;
	s10 =	simm.s32 $0x3800;
	s11 =	simm.s32 $0x5400  }
0x5: {  	s12 =	simm.s32 $0x7000;
	s13 =	simm.s32 $0x8C00;
	s14 =	simm.s32 $0xA800  }
0x6: {  	s15 =	simm.s32 $0xC400;
	s16 =	simm.s32 $0x2;
	s17 =	simm.s32 $0x3  }
0x7: {  	s18 =	simm.s32 $0x4;
	s19 =	simm.s32 $0x5;
	s20 =	simm.s32 $0x6  }
0x8: {  	s21 =	simm.s32 $0x7;
	s22 =	simm.s32 $0x8;
	s23 =	simm.s32 $0x9  }
0x9: {  	s24 =	simm.s32 $0x0;
	s4 =	sand.u32 $0x1, s2;
	s6 =	sshll.u32 s1, $0x1  }
.Ltmp0:
0xa: {  	s2 =	simm.s32 $0x0;
	s3 =	sadd.s32 $0x400, s3;
	(pc) =	sbr.rel .LBB2_1-.Ltmp0, $4  }
0xb: {  	v0 =	vlaneseq.u32;
	s7 =	ssub.s32 $0x2, s4;
	s4 =	sor.u32 s4, s6;
	[smem:$0x7FF] =	sst s2  }
0xc: {  	v0 =	vmul.u32 $0x80, v0;
	s31 =	sshrl.u32 s7, $0x1;
	s8 =	smul.u32 $0x320, s4;
	_ =	strace $0x80000047  }
0xd: {  	v1 =	vimm.f32 $0.0e+00;
	v2 =	vimm.f32 $1.000000000e+00;
	s4 =	sshll.u32 s4, $0x7;
	s6 =	ssub.s32 s7, s31;
	s7 =	simm.s32 $0xE000  }
0xe: {  	v3 =	vor.u32 $0x800, v0;
	v4 =	vor.u32 $0x1000, v0;
	v5 =	vor.u32 $0x1800, v0;
	s5 =	sadd.s32 s5, s8;
	s6 =	smax.u32 s6, $0x1;
	s8 =	simm.s32 $0x1  }
.LBB2_43:
0xf: {  	_ =	swait.ge [sflag:s16], $0x1900  }
0x10: {  	[sflag:s16] =	ssyncset.done $0x0  }
0x11: {  	[sflag:s16] =	ssyncadd.s32 $0xFFFFE700  }
0x12: {  	_ =	swait.ge [sflag:s17], $0x1900  }
0x13: {  	[sflag:s17] =	ssyncset.done $0x0  }
0x14: {  	[sflag:s17] =	ssyncadd.s32 $0xFFFFE700  }
0x15: {  	_ =	swait.ge [sflag:s18], $0x1900  }
0x16: {  	[sflag:s18] =	ssyncset.done $0x0  }
0x17: {  	[sflag:s18] =	ssyncadd.s32 $0xFFFFE700  }
0x18: {  	_ =	swait.ge [sflag:s19], $0x1900  }
0x19: {  	[sflag:s19] =	ssyncset.done $0x0  }
0x1a: {  	[sflag:s19] =	ssyncadd.s32 $0xFFFFE700  }
0x1b: {  	_ =	swait.ge [sflag:s20], $0x1900  }
0x1c: {  	[sflag:s20] =	ssyncset.done $0x0  }
0x1d: {  	[sflag:s20] =	ssyncadd.s32 $0xFFFFE700  }
0x1e: {  	_ =	swait.ge [sflag:s21], $0x1900  }
0x1f: {  	[sflag:s21] =	ssyncset.done $0x0  }
0x20: {  	s24 =	sadd.s32 $0x1, s24;
	[sflag:s21] =	ssyncadd.s32 $0xFFFFE700  }
0x21: {  	p0 =	sne.s32 s24, s6;
	_ =	swait.ge [sflag:s22], $0x1900  }
.Ltmp1:
0x22: {  	[sflag:s22] =	ssyncset.done $0x0;
	(pc) =	sbr.rel @!p0 .LBB2_44-.Ltmp1, $4  }
0x23: {  	[sflag:s22] =	ssyncadd.s32 $0xFFFFE700  }
0x24: {  	_ =	swait.ge [sflag:s23], $0x1900  }
0x25: {  	[sflag:s23] =	ssyncset.done $0x0  }
0x26: {  	[sflag:s23] =	ssyncadd.s32 $0xFFFFE700  }
.LBB2_1:
.Ltmp2:
0x27: {  	(pc) =	sbr.rel .LBB2_2-.Ltmp2, $4  }
0x28: {  	[tilespmem:s7], [sflag:$0x1] =	stream.linear.gather [hbm4b:s5+s2], $0x1900, $0x38;
	[tilespmem:$0xFB80] =	vst v63  }
0x29: {  	_ =	swait.ge [sflag:s8], $0x1900  }
0x2a: {  	[sflag:s8] =	ssyncset.done $0x0  }
0x2b: {  	s25 =	simm.s32 $0x0;
	[sflag:s8] =	ssyncadd.s32 $0xFFFFE700  }
.LBB2_41:
0x2c: {  	_ =	swait.ge [sflag:s23], $0x1900  }
0x2d: {  	[sflag:s23] =	ssyncset.done $0x0  }
0x2e: {  	[sflag:s23] =	ssyncadd.s32 $0xFFFFE700  }
0x2f: {  	v6 =	vld [tilespmem:$0xFB40];
	_ =	sdelay $0x4  }
0x30: {  	v6 =	vadd.s32 v0, v6;
	_ =	sdelay $0x4  }
0x31: {  	[tilespmem:v6+s15+$0x0] =	vst.idx.msk $0xffff, v1  }
0x32: {  	v6 =	vld [tilespmem:$0xFB50];
	_ =	sdelay $0x4  }
0x33: {  	v6 =	vadd.s32 v3, v6;
	_ =	sdelay $0x4  }
0x34: {  	[tilespmem:v6+s15+$0x0] =	vst.idx.msk $0xffff, v1  }
0x35: {  	v6 =	vld [tilespmem:$0xFB60];
	_ =	sdelay $0x4  }
0x36: {  	v6 =	vadd.s32 v4, v6;
	_ =	sdelay $0x4  }
0x37: {  	[tilespmem:v6+s15+$0x0] =	vst.idx.msk $0xffff, v1  }
0x38: {  	v6 =	vld [tilespmem:$0xFB70];
	_ =	sdelay $0x4  }
0x39: {  	v6 =	vadd.s32 v5, v6;
	_ =	sdelay $0x4  }
0x3a: {  	[tilespmem:v6+s15+$0x0] =	vst.idx.msk $0x3, v1  }
.LBB2_42:
0x3b: {  	s26 =	sor.u32 $0x7, s26  }
0x3c: {  	s28 =	smul.u32 $0xC8, s26;
	_ =	sdelay $0x1  }
0x3d: {  	s28 =	sshra.s32 s28, $0x2  }
0x3e: {  	v6 =	vld [tilespmem:s28+$0xE000];
	_ =	sdelay $0x4  }
0x3f: {  	v7 =	vadd.s32 v0, v6;
	_ =	sdelay $0x4  }
0x40: {  	[tilespmem:v7+s15+$0x0] =	vst.idx.msk $0xffff, v2  }
0x41: {  	[tilespmem:$0xFB40] =	vst v6  }
0x42: {  	v6 =	vld [tilespmem:s28+$0xE010];
	_ =	sdelay $0x4  }
0x43: {  	v7 =	vadd.s32 v3, v6;
	_ =	sdelay $0x4  }
0x44: {  	[tilespmem:v7+s15+$0x0] =	vst.idx.msk $0xffff, v2  }
0x45: {  	[tilespmem:$0xFB50] =	vst v6  }
0x46: {  	v6 =	vld [tilespmem:s28+$0xE020];
	_ =	sdelay $0x4  }
0x47: {  	v7 =	vadd.s32 v4, v6;
	_ =	sdelay $0x4  }
0x48: {  	[tilespmem:v7+s15+$0x0] =	vst.idx.msk $0xffff, v2  }
0x49: {  	[tilespmem:$0xFB60] =	vst v6  }
0x4a: {  	v6 =	vld [tilespmem:s28+$0xE030];
	_ =	sdelay $0x4  }
0x4b: {  	v7 =	vadd.s32 v5, v6  }
0x4c: {  	s25 =	sadd.s32 $0x1, s25  }
0x4d: {  	p0 =	sne.s32 s25, $0x10  }
.Ltmp3:
0x4e: {  	s26 =	sadd.s32 s4, s26;
	(pc) =	sbr.rel @!p0 .LBB2_43-.Ltmp3, $4  }
0x4f: {  	s26 =	smul.u32 $0x380, s26  }
0x50: {  	[tilespmem:v7+s15+$0x0] =	vst.idx.msk $0x3, v2  }
0x51: {  	s26 =	sadd.s32 s3, s26;
	[tilespmem:$0xFB70] =	vst v6  }
0x52: {  	[hbm4b:s26+s2] =	stream.linear.scatter [tilespmem:s15], [sflag:$0x9], $0x1900, $0x38;
	[tilespmem:$0xFB80] =	vst v63  }
.LBB2_2:
0x53: {  	p0 =	sne.s32 s25, $0x0  }
.Ltmp4:
0x54: {  	_ = 	snop;
	(pc) =	sbr.rel @!p0 .LBB2_3-.Ltmp4, $1  }
0x55: {  	_ =	sdelay $0x3  }
0x56: {  	_ =	swait.ge [sflag:s16], $0x1900  }
0x57: {  	[sflag:s16] =	ssyncset.done $0x0  }
0x58: {  	[sflag:s16] =	ssyncadd.s32 $0xFFFFE700  }
0x59: {  	v6 =	vld [tilespmem:$0xF980];
	_ =	sdelay $0x4  }
0x5a: {  	v6 =	vadd.s32 v0, v6;
	_ =	sdelay $0x4  }
0x5b: {  	[tilespmem:v6+s2+$0x0] =	vst.idx.msk $0xffff, v1  }
0x5c: {  	v6 =	vld [tilespmem:$0xF990];
	_ =	sdelay $0x4  }
0x5d: {  	v6 =	vadd.s32 v3, v6;
	_ =	sdelay $0x4  }
0x5e: {  	[tilespmem:v6+s2+$0x0] =	vst.idx.msk $0xffff, v1  }
0x5f: {  	v6 =	vld [tilespmem:$0xF9A0];
	_ =	sdelay $0x4  }
0x60: {  	v6 =	vadd.s32 v4, v6;
	_ =	sdelay $0x4  }
0x61: {  	[tilespmem:v6+s2+$0x0] =	vst.idx.msk $0xffff, v1  }
0x62: {  	v6 =	vld [tilespmem:$0xF9B0];
	_ =	sdelay $0x4  }
0x63: {  	v6 =	vadd.s32 v5, v6  }
.Ltmp5:
0x64: {  	_ = 	snop;
	(pc) =	sbr.rel .LBB2_7-.Ltmp5, $2  }
0x65: {  	_ =	sdelay $0x2  }
0x66: {  	[tilespmem:v6+s2+$0x0] =	vst.idx.msk $0x3, v1  }
.LBB2_3:
0x67: {  	s26 =	simm.s32 $0x0;
	s28 =	simm.s32 $0x200  }
.LBB2_4:
0x68: {  	p1 =	seq.s32 s28, $0x6200;
	[tilespmem:s26+$0x70] =	vst v1  }
0x69: {  	[tilespmem:s26+$0x0] =	vst v1  }
0x6a: {  	[tilespmem:s26+$0x10] =	vst v1  }
.Ltmp6:
0x6b: {  	[tilespmem:s26+$0x20] =	vst v1;
	(pc) =	sbr.rel @!p1 .LBB2_4-.Ltmp6, $4  }
0x6c: {  	[tilespmem:s26+$0x30] =	vst v1  }
0x6d: {  	[tilespmem:s26+$0x40] =	vst v1  }
0x6e: {  	[tilespmem:s26+$0x50] =	vst v1  }
0x6f: {  	[tilespmem:s26+$0x60] =	vst v1;
	s26 =	sshra.s32 s28, $0x2;
	s28 =	sadd.s32 $0x200, s28  }
0x70: {  	[tilespmem:s26+$0x70] =	vst v1  }
0x71: {  	[tilespmem:s26+$0x0] =	vst v1  }
0x72: {  	[tilespmem:s26+$0x10] =	vst v1  }
0x73: {  	[tilespmem:s26+$0x20] =	vst v1  }
0x74: {  	[tilespmem:s26+$0x30] =	vst v1  }
0x75: {  	[tilespmem:s26+$0x40] =	vst v1  }
0x76: {  	[tilespmem:s26+$0x50] =	vst v1  }
0x77: {  	[tilespmem:s26+$0x60] =	vst v1  }
.LBB2_7:
0x78: {  	s26 =	smul.u32 $0x640, s25;
	_ =	sdelay $0x1  }
0x79: {  	s26 =	sshra.s32 s26, $0x2  }
0x7a: {  	v6 =	vld [tilespmem:s26+$0xE000];
	_ =	sdelay $0x4  }
0x7b: {  	v7 =	vadd.s32 v0, v6;
	_ =	sdelay $0x3  }
0x7c: {  	s29 =	simm.s32 $0x0  }
0x7d: {  	[tilespmem:v7+s29+$0x0] =	vst.idx.msk $0xffff, v2  }
0x7e: {  	[tilespmem:$0xF980] =	vst v6  }
0x7f: {  	v6 =	vld [tilespmem:s26+$0xE010];
	_ =	sdelay $0x4  }
0x80: {  	v7 =	vadd.s32 v3, v6;
	_ =	sdelay $0x4  }
0x81: {  	[tilespmem:v7+s29+$0x0] =	vst.idx.msk $0xffff, v2  }
0x82: {  	[tilespmem:$0xF990] =	vst v6  }
0x83: {  	v6 =	vld [tilespmem:s26+$0xE020];
	_ =	sdelay $0x4  }
0x84: {  	v7 =	vadd.s32 v4, v6;
	_ =	sdelay $0x4  }
0x85: {  	[tilespmem:v7+s29+$0x0] =	vst.idx.msk $0xffff, v2  }
0x86: {  	[tilespmem:$0xF9A0] =	vst v6  }
0x87: {  	v6 =	vld [tilespmem:s26+$0xE030];
	_ =	sdelay $0x4  }
0x88: {  	v7 =	vadd.s32 v5, v6;
	_ =	sdelay $0x1  }
0x89: {  	s26 =	sshll.u32 s25, $0x3  }
.Ltmp7:
0x8a: {  	s28 =	sadd.s32 s4, s26;
	(pc) =	sbr.rel @!p0 .LBB2_8-.Ltmp7, $4  }
0x8b: {  	s28 =	smul.u32 $0x380, s28  }
0x8c: {  	[tilespmem:v7+s29+$0x0] =	vst.idx.msk $0x3, v2  }
0x8d: {  	s28 =	sadd.s32 s3, s28;
	[tilespmem:$0xF9B0] =	vst v6  }
0x8e: {  	[hbm4b:s28+s29] =	stream.linear.scatter [tilespmem:s29], [sflag:$0x2], $0x1900, $0x38;
	[tilespmem:$0xFB80] =	vst v63  }
0x8f: {  	_ =	swait.ge [sflag:s17], $0x1900  }
0x90: {  	[sflag:s17] =	ssyncset.done $0x0  }
0x91: {  	[sflag:s17] =	ssyncadd.s32 $0xFFFFE700  }
0x92: {  	v6 =	vld [tilespmem:$0xF9C0];
	_ =	sdelay $0x4  }
0x93: {  	v6 =	vadd.s32 v0, v6;
	_ =	sdelay $0x4  }
0x94: {  	[tilespmem:v6+s9+$0x0] =	vst.idx.msk $0xffff, v1  }
0x95: {  	v6 =	vld [tilespmem:$0xF9D0];
	_ =	sdelay $0x4  }
0x96: {  	v6 =	vadd.s32 v3, v6;
	_ =	sdelay $0x4  }
0x97: {  	[tilespmem:v6+s9+$0x0] =	vst.idx.msk $0xffff, v1  }
0x98: {  	v6 =	vld [tilespmem:$0xF9E0];
	_ =	sdelay $0x4  }
0x99: {  	v6 =	vadd.s32 v4, v6;
	_ =	sdelay $0x4  }
0x9a: {  	[tilespmem:v6+s9+$0x0] =	vst.idx.msk $0xffff, v1  }
0x9b: {  	v6 =	vld [tilespmem:$0xF9F0];
	_ =	sdelay $0x4  }
0x9c: {  	v6 =	vadd.s32 v5, v6  }
.Ltmp8:
0x9d: {  	_ = 	snop;
	(pc) =	sbr.rel .LBB2_12-.Ltmp8, $2  }
0x9e: {  	_ =	sdelay $0x2  }
0x9f: {  	[tilespmem:v6+s9+$0x0] =	vst.idx.msk $0x3, v1  }
.LBB2_8:
0xa0: {  	s28 =	sshra.s32 s29, $0x2;
	s29 =	sadd.s32 $0x200, s29  }
.LBB2_9:
0xa1: {  	p1 =	seq.s32 s29, $0x6200;
	[tilespmem:s28+$0x1C70] =	vst v1  }
0xa2: {  	[tilespmem:s28+$0x1C00] =	vst v1  }
0xa3: {  	[tilespmem:s28+$0x1C10] =	vst v1  }
.Ltmp9:
0xa4: {  	[tilespmem:s28+$0x1C20] =	vst v1;
	(pc) =	sbr.rel @!p1 .LBB2_9-.Ltmp9, $4  }
0xa5: {  	[tilespmem:s28+$0x1C30] =	vst v1  }
0xa6: {  	[tilespmem:s28+$0x1C40] =	vst v1  }
0xa7: {  	[tilespmem:s28+$0x1C50] =	vst v1  }
0xa8: {  	[tilespmem:s28+$0x1C60] =	vst v1;
	s28 =	sshra.s32 s29, $0x2;
	s29 =	sadd.s32 $0x200, s29  }
0xa9: {  	[tilespmem:s28+$0x1C70] =	vst v1  }
0xaa: {  	[tilespmem:s28+$0x1C00] =	vst v1  }
0xab: {  	[tilespmem:s28+$0x1C10] =	vst v1  }
0xac: {  	[tilespmem:s28+$0x1C20] =	vst v1  }
0xad: {  	[tilespmem:s28+$0x1C30] =	vst v1  }
0xae: {  	[tilespmem:s28+$0x1C40] =	vst v1  }
0xaf: {  	[tilespmem:s28+$0x1C50] =	vst v1  }
0xb0: {  	[tilespmem:s28+$0x1C60] =	vst v1  }
.LBB2_12:
0xb1: {  	s28 =	sor.u32 $0x1, s26  }
0xb2: {  	s29 =	smul.u32 $0xC8, s28;
	_ =	sdelay $0x1  }
0xb3: {  	s29 =	sshra.s32 s29, $0x2  }
0xb4: {  	v6 =	vld [tilespmem:s29+$0xE000];
	_ =	sdelay $0x4  }
0xb5: {  	v7 =	vadd.s32 v0, v6;
	_ =	sdelay $0x4  }
0xb6: {  	[tilespmem:v7+s9+$0x0] =	vst.idx.msk $0xffff, v2  }
0xb7: {  	[tilespmem:$0xF9C0] =	vst v6  }
0xb8: {  	v6 =	vld [tilespmem:s29+$0xE010];
	_ =	sdelay $0x4  }
0xb9: {  	v7 =	vadd.s32 v3, v6;
	_ =	sdelay $0x4  }
0xba: {  	[tilespmem:v7+s9+$0x0] =	vst.idx.msk $0xffff, v2  }
0xbb: {  	[tilespmem:$0xF9D0] =	vst v6  }
0xbc: {  	v6 =	vld [tilespmem:s29+$0xE020];
	_ =	sdelay $0x4  }
0xbd: {  	v7 =	vadd.s32 v4, v6;
	_ =	sdelay $0x4  }
0xbe: {  	[tilespmem:v7+s9+$0x0] =	vst.idx.msk $0xffff, v2  }
0xbf: {  	[tilespmem:$0xF9E0] =	vst v6  }
0xc0: {  	v6 =	vld [tilespmem:s29+$0xE030];
	_ =	sdelay $0x4  }
0xc1: {  	v7 =	vadd.s32 v5, v6;
	_ =	sdelay $0x2  }
.Ltmp10:
0xc2: {  	s28 =	sadd.s32 s4, s28;
	(pc) =	sbr.rel @!p0 .LBB2_13-.Ltmp10, $4  }
0xc3: {  	s28 =	smul.u32 $0x380, s28  }
0xc4: {  	[tilespmem:v7+s9+$0x0] =	vst.idx.msk $0x3, v2  }
0xc5: {  	s28 =	sadd.s32 s3, s28;
	s29 =	simm.s32 $0x0;
	[tilespmem:$0xF9F0] =	vst v6  }
0xc6: {  	[hbm4b:s28+s29] =	stream.linear.scatter [tilespmem:s9], [sflag:$0x3], $0x1900, $0x38;
	[tilespmem:$0xFB80] =	vst v63  }
0xc7: {  	_ =	swait.ge [sflag:s18], $0x1900  }
0xc8: {  	[sflag:s18] =	ssyncset.done $0x0  }
0xc9: {  	[sflag:s18] =	ssyncadd.s32 $0xFFFFE700  }
0xca: {  	v6 =	vld [tilespmem:$0xFA00];
	_ =	sdelay $0x4  }
0xcb: {  	v6 =	vadd.s32 v0, v6;
	_ =	sdelay $0x4  }
0xcc: {  	[tilespmem:v6+s10+$0x0] =	vst.idx.msk $0xffff, v1  }
0xcd: {  	v6 =	vld [tilespmem:$0xFA10];
	_ =	sdelay $0x4  }
0xce: {  	v6 =	vadd.s32 v3, v6;
	_ =	sdelay $0x4  }
0xcf: {  	[tilespmem:v6+s10+$0x0] =	vst.idx.msk $0xffff, v1  }
0xd0: {  	v6 =	vld [tilespmem:$0xFA20];
	_ =	sdelay $0x4  }
0xd1: {  	v6 =	vadd.s32 v4, v6;
	_ =	sdelay $0x4  }
0xd2: {  	[tilespmem:v6+s10+$0x0] =	vst.idx.msk $0xffff, v1  }
0xd3: {  	v6 =	vld [tilespmem:$0xFA30];
	_ =	sdelay $0x4  }
0xd4: {  	v6 =	vadd.s32 v5, v6  }
.Ltmp11:
0xd5: {  	_ = 	snop;
	(pc) =	sbr.rel .LBB2_17-.Ltmp11, $2  }
0xd6: {  	_ =	sdelay $0x2  }
0xd7: {  	[tilespmem:v6+s10+$0x0] =	vst.idx.msk $0x3, v1  }
.LBB2_13:
0xd8: {  	s28 =	sshra.s32 s29, $0x2;
	s29 =	sadd.s32 $0x200, s29  }
.LBB2_14:
0xd9: {  	p1 =	seq.s32 s29, $0x6200;
	[tilespmem:s28+$0x3870] =	vst v1  }
0xda: {  	[tilespmem:s28+$0x3800] =	vst v1  }
0xdb: {  	[tilespmem:s28+$0x3810] =	vst v1  }
.Ltmp12:
0xdc: {  	[tilespmem:s28+$0x3820] =	vst v1;
	(pc) =	sbr.rel @!p1 .LBB2_14-.Ltmp12, $4  }
0xdd: {  	[tilespmem:s28+$0x3830] =	vst v1  }
0xde: {  	[tilespmem:s28+$0x3840] =	vst v1  }
0xdf: {  	[tilespmem:s28+$0x3850] =	vst v1  }
0xe0: {  	[tilespmem:s28+$0x3860] =	vst v1;
	s28 =	sshra.s32 s29, $0x2;
	s29 =	sadd.s32 $0x200, s29  }
0xe1: {  	[tilespmem:s28+$0x3870] =	vst v1  }
0xe2: {  	[tilespmem:s28+$0x3800] =	vst v1  }
0xe3: {  	[tilespmem:s28+$0x3810] =	vst v1  }
0xe4: {  	[tilespmem:s28+$0x3820] =	vst v1  }
0xe5: {  	[tilespmem:s28+$0x3830] =	vst v1  }
0xe6: {  	[tilespmem:s28+$0x3840] =	vst v1  }
0xe7: {  	[tilespmem:s28+$0x3850] =	vst v1  }
0xe8: {  	[tilespmem:s28+$0x3860] =	vst v1  }
.LBB2_17:
0xe9: {  	s28 =	sor.u32 $0x2, s26  }
0xea: {  	s29 =	smul.u32 $0xC8, s28;
	_ =	sdelay $0x1  }
0xeb: {  	s29 =	sshra.s32 s29, $0x2  }
0xec: {  	v6 =	vld [tilespmem:s29+$0xE000];
	_ =	sdelay $0x4  }
0xed: {  	v7 =	vadd.s32 v0, v6;
	_ =	sdelay $0x4  }
0xee: {  	[tilespmem:v7+s10+$0x0] =	vst.idx.msk $0xffff, v2  }
0xef: {  	[tilespmem:$0xFA00] =	vst v6  }
0xf0: {  	v6 =	vld [tilespmem:s29+$0xE010];
	_ =	sdelay $0x4  }
0xf1: {  	v7 =	vadd.s32 v3, v6;
	_ =	sdelay $0x4  }
0xf2: {  	[tilespmem:v7+s10+$0x0] =	vst.idx.msk $0xffff, v2  }
0xf3: {  	[tilespmem:$0xFA10] =	vst v6  }
0xf4: {  	v6 =	vld [tilespmem:s29+$0xE020];
	_ =	sdelay $0x4  }
0xf5: {  	v7 =	vadd.s32 v4, v6;
	_ =	sdelay $0x4  }
0xf6: {  	[tilespmem:v7+s10+$0x0] =	vst.idx.msk $0xffff, v2  }
0xf7: {  	[tilespmem:$0xFA20] =	vst v6  }
0xf8: {  	v6 =	vld [tilespmem:s29+$0xE030];
	_ =	sdelay $0x4  }
0xf9: {  	v7 =	vadd.s32 v5, v6;
	_ =	sdelay $0x2  }
.Ltmp13:
0xfa: {  	s28 =	sadd.s32 s4, s28;
	(pc) =	sbr.rel @!p0 .LBB2_18-.Ltmp13, $4  }
0xfb: {  	s28 =	smul.u32 $0x380, s28  }
0xfc: {  	[tilespmem:v7+s10+$0x0] =	vst.idx.msk $0x3, v2  }
0xfd: {  	s28 =	sadd.s32 s3, s28;
	s29 =	simm.s32 $0x0;
	[tilespmem:$0xFA30] =	vst v6  }
0xfe: {  	[hbm4b:s28+s29] =	stream.linear.scatter [tilespmem:s10], [sflag:$0x4], $0x1900, $0x38;
	[tilespmem:$0xFB80] =	vst v63  }
0xff: {  	_ =	swait.ge [sflag:s19], $0x1900  }
0x100: {  	[sflag:s19] =	ssyncset.done $0x0  }
0x101: {  	[sflag:s19] =	ssyncadd.s32 $0xFFFFE700  }
0x102: {  	v6 =	vld [tilespmem:$0xFA40];
	_ =	sdelay $0x4  }
0x103: {  	v6 =	vadd.s32 v0, v6;
	_ =	sdelay $0x4  }
0x104: {  	[tilespmem:v6+s11+$0x0] =	vst.idx.msk $0xffff, v1  }
0x105: {  	v6 =	vld [tilespmem:$0xFA50];
	_ =	sdelay $0x4  }
0x106: {  	v6 =	vadd.s32 v3, v6;
	_ =	sdelay $0x4  }
0x107: {  	[tilespmem:v6+s11+$0x0] =	vst.idx.msk $0xffff, v1  }
0x108: {  	v6 =	vld [tilespmem:$0xFA60];
	_ =	sdelay $0x4  }
0x109: {  	v6 =	vadd.s32 v4, v6;
	_ =	sdelay $0x4  }
0x10a: {  	[tilespmem:v6+s11+$0x0] =	vst.idx.msk $0xffff, v1  }
0x10b: {  	v6 =	vld [tilespmem:$0xFA70];
	_ =	sdelay $0x4  }
0x10c: {  	v6 =	vadd.s32 v5, v6  }
.Ltmp14:
0x10d: {  	_ = 	snop;
	(pc) =	sbr.rel .LBB2_22-.Ltmp14, $2  }
0x10e: {  	_ =	sdelay $0x2  }
0x10f: {  	[tilespmem:v6+s11+$0x0] =	vst.idx.msk $0x3, v1  }
.LBB2_18:
0x110: {  	s28 =	sshra.s32 s29, $0x2;
	s29 =	sadd.s32 $0x200, s29  }
.LBB2_19:
0x111: {  	p1 =	seq.s32 s29, $0x6200;
	[tilespmem:s28+$0x5470] =	vst v1  }
0x112: {  	[tilespmem:s28+$0x5400] =	vst v1  }
0x113: {  	[tilespmem:s28+$0x5410] =	vst v1  }
.Ltmp15:
0x114: {  	[tilespmem:s28+$0x5420] =	vst v1;
	(pc) =	sbr.rel @!p1 .LBB2_19-.Ltmp15, $4  }
0x115: {  	[tilespmem:s28+$0x5430] =	vst v1  }
0x116: {  	[tilespmem:s28+$0x5440] =	vst v1  }
0x117: {  	[tilespmem:s28+$0x5450] =	vst v1  }
0x118: {  	[tilespmem:s28+$0x5460] =	vst v1;
	s28 =	sshra.s32 s29, $0x2;
	s29 =	sadd.s32 $0x200, s29  }
0x119: {  	[tilespmem:s28+$0x5470] =	vst v1  }
0x11a: {  	[tilespmem:s28+$0x5400] =	vst v1  }
0x11b: {  	[tilespmem:s28+$0x5410] =	vst v1  }
0x11c: {  	[tilespmem:s28+$0x5420] =	vst v1  }
0x11d: {  	[tilespmem:s28+$0x5430] =	vst v1  }
0x11e: {  	[tilespmem:s28+$0x5440] =	vst v1  }
0x11f: {  	[tilespmem:s28+$0x5450] =	vst v1  }
0x120: {  	[tilespmem:s28+$0x5460] =	vst v1  }
.LBB2_22:
0x121: {  	s28 =	sor.u32 $0x3, s26  }
0x122: {  	s29 =	smul.u32 $0xC8, s28;
	_ =	sdelay $0x1  }
0x123: {  	s29 =	sshra.s32 s29, $0x2  }
0x124: {  	v6 =	vld [tilespmem:s29+$0xE000];
	_ =	sdelay $0x4  }
0x125: {  	v7 =	vadd.s32 v0, v6;
	_ =	sdelay $0x4  }
0x126: {  	[tilespmem:v7+s11+$0x0] =	vst.idx.msk $0xffff, v2  }
0x127: {  	[tilespmem:$0xFA40] =	vst v6  }
0x128: {  	v6 =	vld [tilespmem:s29+$0xE010];
	_ =	sdelay $0x4  }
0x129: {  	v7 =	vadd.s32 v3, v6;
	_ =	sdelay $0x4  }
0x12a: {  	[tilespmem:v7+s11+$0x0] =	vst.idx.msk $0xffff, v2  }
0x12b: {  	[tilespmem:$0xFA50] =	vst v6  }
0x12c: {  	v6 =	vld [tilespmem:s29+$0xE020];
	_ =	sdelay $0x4  }
0x12d: {  	v7 =	vadd.s32 v4, v6;
	_ =	sdelay $0x4  }
0x12e: {  	[tilespmem:v7+s11+$0x0] =	vst.idx.msk $0xffff, v2  }
0x12f: {  	[tilespmem:$0xFA60] =	vst v6  }
0x130: {  	v6 =	vld [tilespmem:s29+$0xE030];
	_ =	sdelay $0x4  }
0x131: {  	v7 =	vadd.s32 v5, v6;
	_ =	sdelay $0x2  }
.Ltmp16:
0x132: {  	s28 =	sadd.s32 s4, s28;
	(pc) =	sbr.rel @!p0 .LBB2_23-.Ltmp16, $4  }
0x133: {  	s28 =	smul.u32 $0x380, s28  }
0x134: {  	[tilespmem:v7+s11+$0x0] =	vst.idx.msk $0x3, v2  }
0x135: {  	s28 =	sadd.s32 s3, s28;
	s29 =	simm.s32 $0x0;
	[tilespmem:$0xFA70] =	vst v6  }
0x136: {  	[hbm4b:s28+s29] =	stream.linear.scatter [tilespmem:s11], [sflag:$0x5], $0x1900, $0x38;
	[tilespmem:$0xFB80] =	vst v63  }
0x137: {  	_ =	swait.ge [sflag:s20], $0x1900  }
0x138: {  	[sflag:s20] =	ssyncset.done $0x0  }
0x139: {  	[sflag:s20] =	ssyncadd.s32 $0xFFFFE700  }
0x13a: {  	v6 =	vld [tilespmem:$0xFA80];
	_ =	sdelay $0x4  }
0x13b: {  	v6 =	vadd.s32 v0, v6;
	_ =	sdelay $0x4  }
0x13c: {  	[tilespmem:v6+s12+$0x0] =	vst.idx.msk $0xffff, v1  }
0x13d: {  	v6 =	vld [tilespmem:$0xFA90];
	_ =	sdelay $0x4  }
0x13e: {  	v6 =	vadd.s32 v3, v6;
	_ =	sdelay $0x4  }
0x13f: {  	[tilespmem:v6+s12+$0x0] =	vst.idx.msk $0xffff, v1  }
0x140: {  	v6 =	vld [tilespmem:$0xFAA0];
	_ =	sdelay $0x4  }
0x141: {  	v6 =	vadd.s32 v4, v6;
	_ =	sdelay $0x4  }
0x142: {  	[tilespmem:v6+s12+$0x0] =	vst.idx.msk $0xffff, v1  }
0x143: {  	v6 =	vld [tilespmem:$0xFAB0];
	_ =	sdelay $0x4  }
0x144: {  	v6 =	vadd.s32 v5, v6  }
.Ltmp17:
0x145: {  	_ = 	snop;
	(pc) =	sbr.rel .LBB2_27-.Ltmp17, $2  }
0x146: {  	_ =	sdelay $0x2  }
0x147: {  	[tilespmem:v6+s12+$0x0] =	vst.idx.msk $0x3, v1  }
.LBB2_23:
0x148: {  	s28 =	sshra.s32 s29, $0x2;
	s29 =	sadd.s32 $0x200, s29  }
.LBB2_24:
0x149: {  	p1 =	seq.s32 s29, $0x6200;
	[tilespmem:s28+$0x7070] =	vst v1  }
0x14a: {  	[tilespmem:s28+$0x7000] =	vst v1  }
0x14b: {  	[tilespmem:s28+$0x7010] =	vst v1  }
.Ltmp18:
0x14c: {  	[tilespmem:s28+$0x7020] =	vst v1;
	(pc) =	sbr.rel @!p1 .LBB2_24-.Ltmp18, $4  }
0x14d: {  	[tilespmem:s28+$0x7030] =	vst v1  }
0x14e: {  	[tilespmem:s28+$0x7040] =	vst v1  }
0x14f: {  	[tilespmem:s28+$0x7050] =	vst v1  }
0x150: {  	[tilespmem:s28+$0x7060] =	vst v1;
	s28 =	sshra.s32 s29, $0x2;
	s29 =	sadd.s32 $0x200, s29  }
0x151: {  	[tilespmem:s28+$0x7070] =	vst v1  }
0x152: {  	[tilespmem:s28+$0x7000] =	vst v1  }
0x153: {  	[tilespmem:s28+$0x7010] =	vst v1  }
0x154: {  	[tilespmem:s28+$0x7020] =	vst v1  }
0x155: {  	[tilespmem:s28+$0x7030] =	vst v1  }
0x156: {  	[tilespmem:s28+$0x7040] =	vst v1  }
0x157: {  	[tilespmem:s28+$0x7050] =	vst v1  }
0x158: {  	[tilespmem:s28+$0x7060] =	vst v1  }
.LBB2_27:
0x159: {  	s28 =	sor.u32 $0x4, s26  }
0x15a: {  	s29 =	smul.u32 $0xC8, s28;
	_ =	sdelay $0x1  }
0x15b: {  	s29 =	sshra.s32 s29, $0x2  }
0x15c: {  	v6 =	vld [tilespmem:s29+$0xE000];
	_ =	sdelay $0x4  }
0x15d: {  	v7 =	vadd.s32 v0, v6;
	_ =	sdelay $0x4  }
0x15e: {  	[tilespmem:v7+s12+$0x0] =	vst.idx.msk $0xffff, v2  }
0x15f: {  	[tilespmem:$0xFA80] =	vst v6  }
0x160: {  	v6 =	vld [tilespmem:s29+$0xE010];
	_ =	sdelay $0x4  }
0x161: {  	v7 =	vadd.s32 v3, v6;
	_ =	sdelay $0x4  }
0x162: {  	[tilespmem:v7+s12+$0x0] =	vst.idx.msk $0xffff, v2  }
0x163: {  	[tilespmem:$0xFA90] =	vst v6  }
0x164: {  	v6 =	vld [tilespmem:s29+$0xE020];
	_ =	sdelay $0x4  }
0x165: {  	v7 =	vadd.s32 v4, v6;
	_ =	sdelay $0x4  }
0x166: {  	[tilespmem:v7+s12+$0x0] =	vst.idx.msk $0xffff, v2  }
0x167: {  	[tilespmem:$0xFAA0] =	vst v6  }
0x168: {  	v6 =	vld [tilespmem:s29+$0xE030];
	_ =	sdelay $0x4  }
0x169: {  	v7 =	vadd.s32 v5, v6;
	_ =	sdelay $0x2  }
.Ltmp19:
0x16a: {  	s28 =	sadd.s32 s4, s28;
	(pc) =	sbr.rel @!p0 .LBB2_28-.Ltmp19, $4  }
0x16b: {  	s28 =	smul.u32 $0x380, s28  }
0x16c: {  	[tilespmem:v7+s12+$0x0] =	vst.idx.msk $0x3, v2  }
0x16d: {  	s28 =	sadd.s32 s3, s28;
	s29 =	simm.s32 $0x0;
	[tilespmem:$0xFAB0] =	vst v6  }
0x16e: {  	[hbm4b:s28+s29] =	stream.linear.scatter [tilespmem:s12], [sflag:$0x6], $0x1900, $0x38;
	[tilespmem:$0xFB80] =	vst v63  }
0x16f: {  	_ =	swait.ge [sflag:s21], $0x1900  }
0x170: {  	[sflag:s21] =	ssyncset.done $0x0  }
0x171: {  	[sflag:s21] =	ssyncadd.s32 $0xFFFFE700  }
0x172: {  	v6 =	vld [tilespmem:$0xFAC0];
	_ =	sdelay $0x4  }
0x173: {  	v6 =	vadd.s32 v0, v6;
	_ =	sdelay $0x4  }
0x174: {  	[tilespmem:v6+s13+$0x0] =	vst.idx.msk $0xffff, v1  }
0x175: {  	v6 =	vld [tilespmem:$0xFAD0];
	_ =	sdelay $0x4  }
0x176: {  	v6 =	vadd.s32 v3, v6;
	_ =	sdelay $0x4  }
0x177: {  	[tilespmem:v6+s13+$0x0] =	vst.idx.msk $0xffff, v1  }
0x178: {  	v6 =	vld [tilespmem:$0xFAE0];
	_ =	sdelay $0x4  }
0x179: {  	v6 =	vadd.s32 v4, v6;
	_ =	sdelay $0x4  }
0x17a: {  	[tilespmem:v6+s13+$0x0] =	vst.idx.msk $0xffff, v1  }
0x17b: {  	v6 =	vld [tilespmem:$0xFAF0];
	_ =	sdelay $0x4  }
0x17c: {  	v6 =	vadd.s32 v5, v6  }
.Ltmp20:
0x17d: {  	_ = 	snop;
	(pc) =	sbr.rel .LBB2_32-.Ltmp20, $2  }
0x17e: {  	_ =	sdelay $0x2  }
0x17f: {  	[tilespmem:v6+s13+$0x0] =	vst.idx.msk $0x3, v1  }
.LBB2_28:
0x180: {  	s28 =	sshra.s32 s29, $0x2;
	s29 =	sadd.s32 $0x200, s29  }
.LBB2_29:
0x181: {  	p1 =	seq.s32 s29, $0x6200;
	[tilespmem:s28+$0x8C70] =	vst v1  }
0x182: {  	[tilespmem:s28+$0x8C00] =	vst v1  }
0x183: {  	[tilespmem:s28+$0x8C10] =	vst v1  }
.Ltmp21:
0x184: {  	[tilespmem:s28+$0x8C20] =	vst v1;
	(pc) =	sbr.rel @!p1 .LBB2_29-.Ltmp21, $4  }
0x185: {  	[tilespmem:s28+$0x8C30] =	vst v1  }
0x186: {  	[tilespmem:s28+$0x8C40] =	vst v1  }
0x187: {  	[tilespmem:s28+$0x8C50] =	vst v1  }
0x188: {  	[tilespmem:s28+$0x8C60] =	vst v1;
	s28 =	sshra.s32 s29, $0x2;
	s29 =	sadd.s32 $0x200, s29  }
0x189: {  	[tilespmem:s28+$0x8C70] =	vst v1  }
0x18a: {  	[tilespmem:s28+$0x8C00] =	vst v1  }
0x18b: {  	[tilespmem:s28+$0x8C10] =	vst v1  }
0x18c: {  	[tilespmem:s28+$0x8C20] =	vst v1  }
0x18d: {  	[tilespmem:s28+$0x8C30] =	vst v1  }
0x18e: {  	[tilespmem:s28+$0x8C40] =	vst v1  }
0x18f: {  	[tilespmem:s28+$0x8C50] =	vst v1  }
0x190: {  	[tilespmem:s28+$0x8C60] =	vst v1  }
.LBB2_32:
0x191: {  	s28 =	sor.u32 $0x5, s26  }
0x192: {  	s29 =	smul.u32 $0xC8, s28;
	_ =	sdelay $0x1  }
0x193: {  	s29 =	sshra.s32 s29, $0x2  }
0x194: {  	v6 =	vld [tilespmem:s29+$0xE000];
	_ =	sdelay $0x4  }
0x195: {  	v7 =	vadd.s32 v0, v6;
	_ =	sdelay $0x4  }
0x196: {  	[tilespmem:v7+s13+$0x0] =	vst.idx.msk $0xffff, v2  }
0x197: {  	[tilespmem:$0xFAC0] =	vst v6  }
0x198: {  	v6 =	vld [tilespmem:s29+$0xE010];
	_ =	sdelay $0x4  }
0x199: {  	v7 =	vadd.s32 v3, v6;
	_ =	sdelay $0x4  }
0x19a: {  	[tilespmem:v7+s13+$0x0] =	vst.idx.msk $0xffff, v2  }
0x19b: {  	[tilespmem:$0xFAD0] =	vst v6  }
0x19c: {  	v6 =	vld [tilespmem:s29+$0xE020];
	_ =	sdelay $0x4  }
0x19d: {  	v7 =	vadd.s32 v4, v6;
	_ =	sdelay $0x4  }
0x19e: {  	[tilespmem:v7+s13+$0x0] =	vst.idx.msk $0xffff, v2  }
0x19f: {  	[tilespmem:$0xFAE0] =	vst v6  }
0x1a0: {  	v6 =	vld [tilespmem:s29+$0xE030];
	_ =	sdelay $0x4  }
0x1a1: {  	v7 =	vadd.s32 v5, v6;
	_ =	sdelay $0x2  }
.Ltmp22:
0x1a2: {  	s28 =	sadd.s32 s4, s28;
	(pc) =	sbr.rel @!p0 .LBB2_33-.Ltmp22, $4  }
0x1a3: {  	s28 =	smul.u32 $0x380, s28  }
0x1a4: {  	[tilespmem:v7+s13+$0x0] =	vst.idx.msk $0x3, v2  }
0x1a5: {  	s28 =	sadd.s32 s3, s28;
	s29 =	simm.s32 $0x0;
	[tilespmem:$0xFAF0] =	vst v6  }
0x1a6: {  	[hbm4b:s28+s29] =	stream.linear.scatter [tilespmem:s13], [sflag:$0x7], $0x1900, $0x38;
	[tilespmem:$0xFB80] =	vst v63  }
0x1a7: {  	_ =	swait.ge [sflag:s22], $0x1900  }
0x1a8: {  	[sflag:s22] =	ssyncset.done $0x0  }
0x1a9: {  	[sflag:s22] =	ssyncadd.s32 $0xFFFFE700  }
0x1aa: {  	v6 =	vld [tilespmem:$0xFB00];
	_ =	sdelay $0x4  }
0x1ab: {  	v6 =	vadd.s32 v0, v6;
	_ =	sdelay $0x4  }
0x1ac: {  	[tilespmem:v6+s14+$0x0] =	vst.idx.msk $0xffff, v1  }
0x1ad: {  	v6 =	vld [tilespmem:$0xFB10];
	_ =	sdelay $0x4  }
0x1ae: {  	v6 =	vadd.s32 v3, v6;
	_ =	sdelay $0x4  }
0x1af: {  	[tilespmem:v6+s14+$0x0] =	vst.idx.msk $0xffff, v1  }
0x1b0: {  	v6 =	vld [tilespmem:$0xFB20];
	_ =	sdelay $0x4  }
0x1b1: {  	v6 =	vadd.s32 v4, v6;
	_ =	sdelay $0x4  }
0x1b2: {  	[tilespmem:v6+s14+$0x0] =	vst.idx.msk $0xffff, v1  }
0x1b3: {  	v6 =	vld [tilespmem:$0xFB30];
	_ =	sdelay $0x4  }
0x1b4: {  	v6 =	vadd.s32 v5, v6  }
.Ltmp23:
0x1b5: {  	_ = 	snop;
	(pc) =	sbr.rel .LBB2_37-.Ltmp23, $2  }
0x1b6: {  	_ =	sdelay $0x2  }
0x1b7: {  	[tilespmem:v6+s14+$0x0] =	vst.idx.msk $0x3, v1  }
.LBB2_33:
0x1b8: {  	s28 =	sshra.s32 s29, $0x2;
	s29 =	sadd.s32 $0x200, s29  }
.LBB2_34:
0x1b9: {  	p1 =	seq.s32 s29, $0x6200;
	[tilespmem:s28+$0xA870] =	vst v1  }
0x1ba: {  	[tilespmem:s28+$0xA800] =	vst v1  }
0x1bb: {  	[tilespmem:s28+$0xA810] =	vst v1  }
.Ltmp24:
0x1bc: {  	[tilespmem:s28+$0xA820] =	vst v1;
	(pc) =	sbr.rel @!p1 .LBB2_34-.Ltmp24, $4  }
0x1bd: {  	[tilespmem:s28+$0xA830] =	vst v1  }
0x1be: {  	[tilespmem:s28+$0xA840] =	vst v1  }
0x1bf: {  	[tilespmem:s28+$0xA850] =	vst v1  }
0x1c0: {  	[tilespmem:s28+$0xA860] =	vst v1;
	s28 =	sshra.s32 s29, $0x2;
	s29 =	sadd.s32 $0x200, s29  }
0x1c1: {  	[tilespmem:s28+$0xA870] =	vst v1  }
0x1c2: {  	[tilespmem:s28+$0xA800] =	vst v1  }
0x1c3: {  	[tilespmem:s28+$0xA810] =	vst v1  }
0x1c4: {  	[tilespmem:s28+$0xA820] =	vst v1  }
0x1c5: {  	[tilespmem:s28+$0xA830] =	vst v1  }
0x1c6: {  	[tilespmem:s28+$0xA840] =	vst v1  }
0x1c7: {  	[tilespmem:s28+$0xA850] =	vst v1  }
0x1c8: {  	[tilespmem:s28+$0xA860] =	vst v1  }
.LBB2_37:
0x1c9: {  	s28 =	sor.u32 $0x6, s26  }
0x1ca: {  	s29 =	smul.u32 $0xC8, s28;
	_ =	sdelay $0x1  }
0x1cb: {  	s29 =	sshra.s32 s29, $0x2  }
0x1cc: {  	v6 =	vld [tilespmem:s29+$0xE000];
	_ =	sdelay $0x4  }
0x1cd: {  	v7 =	vadd.s32 v0, v6;
	_ =	sdelay $0x4  }
0x1ce: {  	[tilespmem:v7+s14+$0x0] =	vst.idx.msk $0xffff, v2  }
0x1cf: {  	[tilespmem:$0xFB00] =	vst v6  }
0x1d0: {  	v6 =	vld [tilespmem:s29+$0xE010];
	_ =	sdelay $0x4  }
0x1d1: {  	v7 =	vadd.s32 v3, v6;
	_ =	sdelay $0x4  }
0x1d2: {  	[tilespmem:v7+s14+$0x0] =	vst.idx.msk $0xffff, v2  }
0x1d3: {  	[tilespmem:$0xFB10] =	vst v6  }
0x1d4: {  	v6 =	vld [tilespmem:s29+$0xE020];
	_ =	sdelay $0x4  }
0x1d5: {  	v7 =	vadd.s32 v4, v6;
	_ =	sdelay $0x4  }
0x1d6: {  	[tilespmem:v7+s14+$0x0] =	vst.idx.msk $0xffff, v2  }
0x1d7: {  	[tilespmem:$0xFB20] =	vst v6  }
0x1d8: {  	v6 =	vld [tilespmem:s29+$0xE030];
	_ =	sdelay $0x4  }
0x1d9: {  	v7 =	vadd.s32 v5, v6;
	_ =	sdelay $0x2  }
.Ltmp25:
0x1da: {  	s28 =	sadd.s32 s4, s28;
	(pc) =	sbr.rel @p0 .LBB2_41-.Ltmp25, $4  }
0x1db: {  	s28 =	smul.u32 $0x380, s28  }
0x1dc: {  	[tilespmem:v7+s14+$0x0] =	vst.idx.msk $0x3, v2  }
0x1dd: {  	s28 =	sadd.s32 s3, s28;
	s29 =	simm.s32 $0x0;
	[tilespmem:$0xFB30] =	vst v6  }
0x1de: {  	[hbm4b:s28+s29] =	stream.linear.scatter [tilespmem:s14], [sflag:$0x8], $0x1900, $0x38;
	[tilespmem:$0xFB80] =	vst v63  }
0x1df: {  	s28 =	sshra.s32 s29, $0x2;
	s29 =	sadd.s32 $0x200, s29  }
.LBB2_39:
0x1e0: {  	p0 =	seq.s32 s29, $0x6200;
	[tilespmem:s28+$0xC470] =	vst v1  }
0x1e1: {  	[tilespmem:s28+$0xC400] =	vst v1  }
0x1e2: {  	[tilespmem:s28+$0xC410] =	vst v1  }
.Ltmp26:
0x1e3: {  	[tilespmem:s28+$0xC420] =	vst v1;
	(pc) =	sbr.rel @!p0 .LBB2_39-.Ltmp26, $4  }
0x1e4: {  	[tilespmem:s28+$0xC430] =	vst v1  }
0x1e5: {  	[tilespmem:s28+$0xC440] =	vst v1  }
0x1e6: {  	[tilespmem:s28+$0xC450] =	vst v1  }
0x1e7: {  	[tilespmem:s28+$0xC460] =	vst v1;
	s28 =	sshra.s32 s29, $0x2;
	s29 =	sadd.s32 $0x200, s29  }
0x1e8: {  	[tilespmem:s28+$0xC470] =	vst v1  }
0x1e9: {  	[tilespmem:s28+$0xC400] =	vst v1  }
0x1ea: {  	[tilespmem:s28+$0xC410] =	vst v1  }
.Ltmp27:
0x1eb: {  	[tilespmem:s28+$0xC420] =	vst v1;
	(pc) =	sbr.rel .LBB2_42-.Ltmp27, $4  }
0x1ec: {  	[tilespmem:s28+$0xC430] =	vst v1  }
0x1ed: {  	[tilespmem:s28+$0xC440] =	vst v1  }
0x1ee: {  	[tilespmem:s28+$0xC450] =	vst v1  }
0x1ef: {  	[tilespmem:s28+$0xC460] =	vst v1  }
.LBB2_44:
0x1f0: {  	_ =	sfence.sel $0x180000  }
0x1f1: {  	[bflag:$0x0] =	sbarrier.arrive $0xFFFF  }
0x1f2: {  	p0 =	sne.s32 s1, $0x0;
	_ =	strace $0x90000047  }
0x1f3: {  	s0 =	sadd.s32 @!p0 $0x100000, s0;
	[bflag:$0x2] =	sbarrier.arrive $0xFFFF  }
0x1f4: {  	[sflag:s0] =	ssyncadd.tile.s32 @!p0 $0x1;
	_ =	shalt  }
.Lfunc_end2:
_tile_overlayer_lowered:
.L_overlay_start_2:
0x1f5: {  	(tag) =	ssettag $0x2  }
0x1f6: {  	s0 =	rddreg [dreg:$0x0];
	s2 =	stileid.u32  }
0x1f7: {  	s1 =	rddreg [dreg:$0x1];
	p0 =	sne.s32 s2, $0x0  }
0x1f8: {  	s3 =	rddreg [dreg:$0x2];
	[bflag:$0x3] =	sbarrier.arrive $0xFFFF;
	s2 =	simm.s32 @!p0 $0x1C0A  }
0x1f9: {  	[timem:s3], [sflag:s2] =	dma.local @!p0 [hbm:s0], s1  }
0x1fa: {  	s0 =	simm.s32 @!p0 $0xA  }
0x1fb: {  	_ =	swait.ge @!p0 [sflag:s0], s1  }
0x1fc: {  	s1 =	ssub.s32 @!p0 $0x0, s1;
	[sflag:s0] =	ssyncset.done @!p0 $0x0  }
0x1fd: {  	[sflag:s0] =	ssyncadd.s32 @!p0 s1  }
0x1fe: {  	[bflag:$0x3] =	sbarrier.arrive $0xFFFF  }
0x1ff: {  	_ =	shalt  }

</sc_bundles>
